<compile_context>
chip_gen: v7x
topology: tpu7x:2x2x1
jax: 0.10.2.dev20260603
libtpu: 0.0.44.dev20260713+nightly
codegen_flags: <defaults>
</compile_context>

<pallas_src>
import math

import jax
import jax.numpy as jnp
from jax import lax
from jax.experimental import pallas as pl
from jax.experimental.pallas import tpu as pltpu
from jax.experimental.pallas import tpu_sc as plsc

_VOCAB = 1000000
_DIM = 64
_PAD = 128
_B = 4096
_S = 200
_G = 128
_N = _B * _S
_CH = _N // (32 * _G)
_LANES = 16
_SCALE = float(math.sqrt(_DIM))



def _sc_body(table_hbm, idx_hbm, out_hbm, idx_v, gbuf, cbuf, *sems):
    gsems = sems[:2]
    osems = sems[2:]
    nc = 2
    wid = lax.axis_index("s") * nc + lax.axis_index("c")

    pltpu.sync_copy(idx_hbm.at[pl.ds(wid * _CH, _CH)], idx_v)
    row_base = wid * _CH * _G

    def g_copy(c, b):
        return pltpu.make_async_copy(
            table_hbm.at[idx_v.at[c]], gbuf.at[b], gsems[b])

    def s_copy(c, b):
        return pltpu.make_async_copy(
            cbuf.at[b],
            out_hbm.at[pl.ds(row_base + c * _G, _G)], osems[b])

    def compute(b):
        @plsc.parallel_loop(0, _G, unroll=4)
        def _k(k):
            for l in range(4):
                sl = pl.ds(16 * l, _LANES)
                cbuf[b, k, sl] = gbuf[b, k, sl] * _SCALE

    g_copy(0, 0).start()
    g_copy(1, 1).start()

    @pl.loop(0, _CH // 2)
    def _grp(g):
        for b in range(2):
            c = g * 2 + b
            g_copy(c, b).wait()

            @pl.when(c >= 2)
            def _():
                s_copy(c - 2, b).wait()

            compute(b)
            s_copy(c, b).start()

            @pl.when(c + 2 < _CH)
            def _():
                g_copy(c + 2, b).start()

    for c in range(_CH - 2, _CH):
        s_copy(c, c % 2).wait()


def kernel(input, table):
    idx2d = input.reshape(_N // _G, _G).astype(jnp.int32)
    table_p = jnp.pad(table, ((0, 0), (0, _PAD - _DIM)))

    mesh = plsc.VectorSubcoreMesh(core_axis_name="c", subcore_axis_name="s")
    params = pltpu.CompilerParams(
        use_tc_tiling_on_sc=True, needs_layout_passes=False)
    out3 = pl.kernel(
        _sc_body,
        out_type=jax.ShapeDtypeStruct((_N, _DIM), jnp.float32),
        mesh=mesh,
        scratch_types=(
            [pltpu.VMEM((_CH, _G), jnp.int32),
             pltpu.VMEM((2, _G, _PAD), jnp.float32),
             pltpu.VMEM((2, _G, _DIM), jnp.float32)]
            + [pltpu.SemaphoreType.DMA] * 4
        ),
        compiler_params=params,
    )(table_p, idx2d)
    return out3.reshape(_B, _S, _DIM)

# --- scband reference (transcript-rebuilt; emitter-appended) ---
"""Pipeline reference for scband-embeddings-6047313953487 (READ-ONLY COPY).

The authoritative reference and input builder live on the scoring server;
editing this copy changes nothing except your own understanding.
"""

import jax, jax.numpy as jnp
import numpy as np
import math

VOCAB = 1000000
DIM = 64
B = 4096
S = 200

def setup_inputs(seed: int = 0) -> dict:
    key = jax.random.key(seed)
    k_idx, k_tab = jax.random.split(key)
    input_ids = jax.random.randint(k_idx, (B, S), 0, VOCAB, dtype=jnp.int64 if jax.config.jax_enable_x64 else jnp.int32)
    table = jax.random.normal(k_tab, (VOCAB, DIM), dtype=jnp.float32)
    return {"input": input_ids, "table": table}

def reference(input, table):
    # Embedding lookup: gather rows from table, scale by sqrt(embedding_dim)
    emb = jnp.take(table, input, axis=0)  # [B, S, DIM]
    return emb * math.sqrt(DIM)

if __name__ == "__main__":
    import jax
    _d = setup_inputs()
    print(jax.jit(kernel)(*tuple(_d.values())))

</pallas_src>

<mosaic_0001>
#map = affine_map<(d0, d1) -> (0, 0)>
module attributes {stable_mosaic.version = 14 : i64} {
  func.func @_sc_body(%arg0: i32, %arg1: i32, %arg2: memref<1000000x128xf32, #tpu.memory_space<hbm>>, %arg3: memref<6400x128xi32, #tpu.memory_space<hbm>>, %arg4: memref<819200x64xf32, #tpu.memory_space<hbm>>, %arg5: memref<200x128xi32, #tpu.memory_space<vmem>>, %arg6: memref<2x128x128xf32, #tpu.memory_space<vmem>>, %arg7: memref<2x128x64xf32, #tpu.memory_space<vmem>>, %arg8: memref<!tpu.dma_semaphore, #tpu.memory_space<semaphore_mem>>, %arg9: memref<!tpu.dma_semaphore, #tpu.memory_space<semaphore_mem>>, %arg10: memref<!tpu.dma_semaphore, #tpu.memory_space<semaphore_mem>>, %arg11: memref<!tpu.dma_semaphore, #tpu.memory_space<semaphore_mem>>) attributes {dimension_semantics = [#tpu.dimension_semantics<core_parallel>, #tpu.dimension_semantics<subcore_parallel>], iteration_bounds = array<i64: 2, 16>, scalar_prefetch = 0 : i64, scratch_operands = 7 : i64, tpu.core_type = #tpu.core_type<sc_vector_subcore>, window_params = [{transform_indices = #map}, {transform_indices = #map}, {transform_indices = #map}]} {
    %mul3A = arith.constant 2 : i32
    %mul3A_0 = arith.muli %arg1, %mul3A : i32
    %add3A = arith.addi %mul3A_0, %arg0 : i32
    %mul3A_1 = arith.constant 200 : i32
    %mul3A_2 = arith.muli %add3A, %mul3A_1 : i32
    "tpu.region"() ({
      %run_scoped3A = tpu.sem_alloc : memref<!tpu.dma_semaphore, #tpu.memory_space<semaphore_mem>>
      %dma_start3A_63 = arith.constant 0 : i32
      %dma_start3A_64 = tpu.memref_slice %arg3[%mul3A_2, %dma_start3A_63] : memref<6400x128xi32, #tpu.memory_space<hbm>> -> memref<200x128xi32, #tpu.memory_space<hbm>>
      %dma_start3A_65 = arith.constant 0 : i32
      %dma_start3A_66 = tpu.memref_slice %arg3[%mul3A_2, %dma_start3A_65] : memref<6400x128xi32, #tpu.memory_space<hbm>> -> memref<200x128xi32, #tpu.memory_space<hbm>>
      tpu.enqueue_dma source(%dma_start3A_66 : memref<200x128xi32, #tpu.memory_space<hbm>>) target(%arg5 : memref<200x128xi32, #tpu.memory_space<vmem>>) target_semaphore(%run_scoped3A : memref<!tpu.dma_semaphore, #tpu.memory_space<semaphore_mem>>)
      %dma_wait3A_67 = arith.constant 0 : i32
      %dma_wait3A_68 = tpu.memref_slice %arg3[%mul3A_2, %dma_wait3A_67] : memref<6400x128xi32, #tpu.memory_space<hbm>> -> memref<200x128xi32, #tpu.memory_space<hbm>>
      %dma_wait3A_69 = arith.constant 0 : i32
      %dma_wait3A_70 = tpu.memref_slice %arg3[%mul3A_2, %dma_wait3A_69] : memref<6400x128xi32, #tpu.memory_space<hbm>> -> memref<200x128xi32, #tpu.memory_space<hbm>>
      tpu.wait_dma2 semaphore(%run_scoped3A : memref<!tpu.dma_semaphore, #tpu.memory_space<semaphore_mem>>) src(%dma_wait3A_70 : memref<200x128xi32, #tpu.memory_space<hbm>>) dst(%arg5 : memref<200x128xi32, #tpu.memory_space<vmem>>)
      tpu.yield
    }) : () -> ()
    %mul3A_3 = arith.constant 200 : i32
    %mul3A_4 = arith.muli %add3A, %mul3A_3 : i32
    %mul3A_5 = arith.constant 128 : i32
    %mul3A_6 = arith.muli %mul3A_4, %mul3A_5 : i32
    %dma_start3A = arith.constant 0 : i32
    %dma_start3A_7 = arith.constant 0 : i32
    %dma_start3A_8 = arith.constant 0 : i32
    %dma_start3A_9 = arith.constant 0 : i32
    %dma_start3A_10 = tpu.memref_slice %arg6[%dma_start3A_7, %dma_start3A_8, %dma_start3A_9] : memref<2x128x128xf32, #tpu.memory_space<vmem>> -> memref<1x128x128xf32, #tpu.memory_space<vmem>>
    %dma_start3A_11 = tpu.memref_squeeze %dma_start3A_10 : memref<1x128x128xf32, #tpu.memory_space<vmem>> -> memref<128x128xf32, #tpu.memory_space<vmem>>
    %dma_start3A_12 = arith.constant 0 : i32
    %dma_start3A_13 = tpu.memref_slice %arg5[%dma_start3A, %dma_start3A_12] : memref<200x128xi32, #tpu.memory_space<vmem>> -> memref<1x128xi32, #tpu.memory_space<vmem>>
    %dma_start3A_14 = tpu.memref_squeeze %dma_start3A_13 : memref<1x128xi32, #tpu.memory_space<vmem>> -> memref<128xi32, #tpu.memory_space<vmem>>
    %dma_start3A_15 = arith.constant 0 : i32
    %dma_start3A_16 = arith.constant 0 : i32
    %dma_start3A_17 = tpu.memref_slice %arg2[%dma_start3A_15, %dma_start3A_16] : memref<1000000x128xf32, #tpu.memory_space<hbm>> -> memref<1000000x128xf32, #tpu.memory_space<hbm>>
    tpu.enqueue_indirect_dma source(%dma_start3A_17 : memref<1000000x128xf32, #tpu.memory_space<hbm>>) target(%dma_start3A_11 : memref<128x128xf32, #tpu.memory_space<vmem>>) offsets(%dma_start3A_14 : memref<128xi32, #tpu.memory_space<vmem>>) semaphore(%arg8 : memref<!tpu.dma_semaphore, #tpu.memory_space<semaphore_mem>>)
    %dma_start3A_18 = arith.constant 1 : i32
    %dma_start3A_19 = arith.constant 1 : i32
    %dma_start3A_20 = arith.constant 0 : i32
    %dma_start3A_21 = arith.constant 0 : i32
    %dma_start3A_22 = tpu.memref_slice %arg6[%dma_start3A_19, %dma_start3A_20, %dma_start3A_21] : memref<2x128x128xf32, #tpu.memory_space<vmem>> -> memref<1x128x128xf32, #tpu.memory_space<vmem>>
    %dma_start3A_23 = tpu.memref_squeeze %dma_start3A_22 : memref<1x128x128xf32, #tpu.memory_space<vmem>> -> memref<128x128xf32, #tpu.memory_space<vmem>>
    %dma_start3A_24 = arith.constant 0 : i32
    %dma_start3A_25 = tpu.memref_slice %arg5[%dma_start3A_18, %dma_start3A_24] : memref<200x128xi32, #tpu.memory_space<vmem>> -> memref<1x128xi32, #tpu.memory_space<vmem>>
    %dma_start3A_26 = tpu.memref_squeeze %dma_start3A_25 : memref<1x128xi32, #tpu.memory_space<vmem>> -> memref<128xi32, #tpu.memory_space<vmem>>
    %dma_start3A_27 = arith.constant 0 : i32
    %dma_start3A_28 = arith.constant 0 : i32
    %dma_start3A_29 = tpu.memref_slice %arg2[%dma_start3A_27, %dma_start3A_28] : memref<1000000x128xf32, #tpu.memory_space<hbm>> -> memref<1000000x128xf32, #tpu.memory_space<hbm>>
    tpu.enqueue_indirect_dma source(%dma_start3A_29 : memref<1000000x128xf32, #tpu.memory_space<hbm>>) target(%dma_start3A_23 : memref<128x128xf32, #tpu.memory_space<vmem>>) offsets(%dma_start3A_26 : memref<128xi32, #tpu.memory_space<vmem>>) semaphore(%arg9 : memref<!tpu.dma_semaphore, #tpu.memory_space<semaphore_mem>>)
    %scan3A = arith.constant 0 : i32
    %scan3A_30 = arith.constant 100 : i32
    %scan3A_31 = arith.addi %scan3A, %scan3A_30 : i32
    %scan3A_32 = arith.constant 1 : i32
    scf.for %scan3A_63 = %scan3A to %scan3A_31 step %scan3A_32  : i32 {
      %mul3A_64 = arith.constant 1 : i32
      %mul3A_65 = arith.muli %scan3A_63, %mul3A_64 : i32
      %add3A_66 = arith.constant 0 : i32
      %add3A_67 = arith.addi %add3A_66, %mul3A_65 : i32
      %mul3A_68 = arith.constant 2 : i32
      %mul3A_69 = arith.muli %add3A_67, %mul3A_68 : i32
      %add3A_70 = arith.constant 0 : i32
      %add3A_71 = arith.addi %mul3A_69, %add3A_70 : i32
      %dma_wait3A_72 = arith.constant 0 : i32
      %dma_wait3A_73 = arith.constant 0 : i32
      %dma_wait3A_74 = arith.constant 0 : i32
      %dma_wait3A_75 = tpu.memref_slice %arg6[%dma_wait3A_72, %dma_wait3A_73, %dma_wait3A_74] : memref<2x128x128xf32, #tpu.memory_space<vmem>> -> memref<1x128x128xf32, #tpu.memory_space<vmem>>
      %dma_wait3A_76 = tpu.memref_squeeze %dma_wait3A_75 : memref<1x128x128xf32, #tpu.memory_space<vmem>> -> memref<128x128xf32, #tpu.memory_space<vmem>>
      %dma_wait3A_77 = arith.constant 0 : i32
      %dma_wait3A_78 = tpu.memref_slice %arg5[%add3A_71, %dma_wait3A_77] : memref<200x128xi32, #tpu.memory_space<vmem>> -> memref<1x128xi32, #tpu.memory_space<vmem>>
      %dma_wait3A_79 = tpu.memref_squeeze %dma_wait3A_78 : memref<1x128xi32, #tpu.memory_space<vmem>> -> memref<128xi32, #tpu.memory_space<vmem>>
      %dma_wait3A_80 = arith.constant 0 : i32
      %dma_wait3A_81 = arith.constant 0 : i32
      %dma_wait3A_82 = tpu.memref_slice %arg2[%dma_wait3A_80, %dma_wait3A_81] : memref<1000000x128xf32, #tpu.memory_space<hbm>> -> memref<1000000x128xf32, #tpu.memory_space<hbm>>
      tpu.wait_indirect_dma semaphore(%arg8 : memref<!tpu.dma_semaphore, #tpu.memory_space<semaphore_mem>>) src(%dma_wait3A_82 : memref<1000000x128xf32, #tpu.memory_space<hbm>>) dst(%dma_wait3A_76 : memref<128x128xf32, #tpu.memory_space<vmem>>)
      %ge3A = arith.constant 2 : i32
      %ge3A_83 = arith.cmpi sge, %add3A_71, %ge3A : i32
      %convert_element_type3A = arith.extui %ge3A_83 : i1 to i32
      %cond3A = arith.constant 0 : i32
      %cond3A_84 = arith.cmpi ne, %convert_element_type3A, %cond3A : i32
      scf.if %cond3A_84 {
        %sub3A = arith.constant 2 : i32
        %sub3A_155 = arith.subi %add3A_71, %sub3A : i32
        %mul3A_156 = arith.constant 128 : i32
        %mul3A_157 = arith.muli %sub3A_155, %mul3A_156 : i32
        %add3A_158 = arith.addi %mul3A_6, %mul3A_157 : i32
        %dma_wait3A_159 = arith.constant 0 : i32
        %dma_wait3A_160 = arith.constant 0 : i32
        %dma_wait3A_161 = arith.constant 0 : i32
        %dma_wait3A_162 = tpu.memref_slice %arg7[%dma_wait3A_159, %dma_wait3A_160, %dma_wait3A_161] : memref<2x128x64xf32, #tpu.memory_space<vmem>> -> memref<1x128x64xf32, #tpu.memory_space<vmem>>
        %dma_wait3A_163 = tpu.memref_squeeze %dma_wait3A_162 : memref<1x128x64xf32, #tpu.memory_space<vmem>> -> memref<128x64xf32, #tpu.memory_space<vmem>>
        %dma_wait3A_164 = arith.constant 0 : i32
        %dma_wait3A_165 = tpu.memref_slice %arg4[%add3A_158, %dma_wait3A_164] : memref<819200x64xf32, #tpu.memory_space<hbm>> -> memref<128x64xf32, #tpu.memory_space<hbm>>
        %dma_wait3A_166 = arith.constant 0 : i32
        %dma_wait3A_167 = tpu.memref_slice %arg4[%add3A_158, %dma_wait3A_166] : memref<819200x64xf32, #tpu.memory_space<hbm>> -> memref<128x64xf32, #tpu.memory_space<hbm>>
        %dma_wait3A_168 = arith.constant 0 : i32
        %dma_wait3A_169 = arith.constant 0 : i32
        %dma_wait3A_170 = tpu.memref_slice %arg7[%dma_wait3A_159, %dma_wait3A_168, %dma_wait3A_169] : memref<2x128x64xf32, #tpu.memory_space<vmem>> -> memref<1x128x64xf32, #tpu.memory_space<vmem>>
        %dma_wait3A_171 = tpu.memref_squeeze %dma_wait3A_170 : memref<1x128x64xf32, #tpu.memory_space<vmem>> -> memref<128x64xf32, #tpu.memory_space<vmem>>
        tpu.wait_dma2 semaphore(%arg10 : memref<!tpu.dma_semaphore, #tpu.memory_space<semaphore_mem>>) src(%dma_wait3A_171 : memref<128x64xf32, #tpu.memory_space<vmem>>) dst(%dma_wait3A_167 : memref<128x64xf32, #tpu.memory_space<hbm>>)
      } else {
      }
      %parallel_loop3A = arith.constant 0 : i32
      %parallel_loop3A_85 = arith.constant 128 : i32
      %parallel_loop3A_86 = arith.constant 1 : i32
      scf.for %parallel_loop3A_155 = %parallel_loop3A to %parallel_loop3A_85 step %parallel_loop3A_86  : i32 {
        %parallel_loop3A_156 = arith.constant 0 : i32
        %parallel_loop3A_157 = arith.index_cast %parallel_loop3A_156 : i32 to index
        %parallel_loop3A_158 = arith.index_cast %parallel_loop3A_155 : i32 to index
        %parallel_loop3A_159 = arith.constant 0 : index
        %parallel_loop3A_160 = tpu.vector_load %arg6[%parallel_loop3A_157, %parallel_loop3A_158, %parallel_loop3A_159] {strides = array<i32>} : memref<2x128x128xf32, #tpu.memory_space<vmem>>, vector<16xf32>,
        %parallel_loop3A_161 = arith.constant 8.000000e+00 : f32
        %parallel_loop3A_162 = vector.broadcast %parallel_loop3A_161 : f32 to vector<16xf32>
        %parallel_loop3A_163 = arith.mulf %parallel_loop3A_160, %parallel_loop3A_162 : vector<16xf32>
        %parallel_loop3A_164 = arith.constant 0 : i32
        %parallel_loop3A_165 = arith.index_cast %parallel_loop3A_164 : i32 to index
        %parallel_loop3A_166 = arith.index_cast %parallel_loop3A_155 : i32 to index
        %parallel_loop3A_167 = arith.constant 0 : index
        %parallel_loop3A_168 = tpu.vector_load %arg7[%parallel_loop3A_165, %parallel_loop3A_166, %parallel_loop3A_167] {strides = array<i32>} : memref<2x128x64xf32, #tpu.memory_space<vmem>>, vector<16xf32>,
        tpu.vector_store %arg7[%parallel_loop3A_165, %parallel_loop3A_166, %parallel_loop3A_167], %parallel_loop3A_163 {strides = array<i32>} : memref<2x128x64xf32, #tpu.memory_space<vmem>>, vector<16xf32>,
        %parallel_loop3A_169 = arith.constant 0 : i32
        %parallel_loop3A_170 = arith.index_cast %parallel_loop3A_169 : i32 to index
        %parallel_loop3A_171 = arith.index_cast %parallel_loop3A_155 : i32 to index
        %parallel_loop3A_172 = arith.constant 16 : index
        %parallel_loop3A_173 = tpu.vector_load %arg6[%parallel_loop3A_170, %parallel_loop3A_171, %parallel_loop3A_172] {strides = array<i32>} : memref<2x128x128xf32, #tpu.memory_space<vmem>>, vector<16xf32>,
        %parallel_loop3A_174 = arith.constant 8.000000e+00 : f32
        %parallel_loop3A_175 = vector.broadcast %parallel_loop3A_174 : f32 to vector<16xf32>
        %parallel_loop3A_176 = arith.mulf %parallel_loop3A_173, %parallel_loop3A_175 : vector<16xf32>
        %parallel_loop3A_177 = arith.constant 0 : i32
        %parallel_loop3A_178 = arith.index_cast %parallel_loop3A_177 : i32 to index
        %parallel_loop3A_179 = arith.index_cast %parallel_loop3A_155 : i32 to index
        %parallel_loop3A_180 = arith.constant 16 : index
        %parallel_loop3A_181 = tpu.vector_load %arg7[%parallel_loop3A_178, %parallel_loop3A_179, %parallel_loop3A_180] {strides = array<i32>} : memref<2x128x64xf32, #tpu.memory_space<vmem>>, vector<16xf32>,
        tpu.vector_store %arg7[%parallel_loop3A_178, %parallel_loop3A_179, %parallel_loop3A_180], %parallel_loop3A_176 {strides = array<i32>} : memref<2x128x64xf32, #tpu.memory_space<vmem>>, vector<16xf32>,
        %parallel_loop3A_182 = arith.constant 0 : i32
        %parallel_loop3A_183 = arith.index_cast %parallel_loop3A_182 : i32 to index
        %parallel_loop3A_184 = arith.index_cast %parallel_loop3A_155 : i32 to index
        %parallel_loop3A_185 = arith.constant 32 : index
        %parallel_loop3A_186 = tpu.vector_load %arg6[%parallel_loop3A_183, %parallel_loop3A_184, %parallel_loop3A_185] {strides = array<i32>} : memref<2x128x128xf32, #tpu.memory_space<vmem>>, vector<16xf32>,
        %parallel_loop3A_187 = arith.constant 8.000000e+00 : f32
        %parallel_loop3A_188 = vector.broadcast %parallel_loop3A_187 : f32 to vector<16xf32>
        %parallel_loop3A_189 = arith.mulf %parallel_loop3A_186, %parallel_loop3A_188 : vector<16xf32>
        %parallel_loop3A_190 = arith.constant 0 : i32
        %parallel_loop3A_191 = arith.index_cast %parallel_loop3A_190 : i32 to index
        %parallel_loop3A_192 = arith.index_cast %parallel_loop3A_155 : i32 to index
        %parallel_loop3A_193 = arith.constant 32 : index
        %parallel_loop3A_194 = tpu.vector_load %arg7[%parallel_loop3A_191, %parallel_loop3A_192, %parallel_loop3A_193] {strides = array<i32>} : memref<2x128x64xf32, #tpu.memory_space<vmem>>, vector<16xf32>,
        tpu.vector_store %arg7[%parallel_loop3A_191, %parallel_loop3A_192, %parallel_loop3A_193], %parallel_loop3A_189 {strides = array<i32>} : memref<2x128x64xf32, #tpu.memory_space<vmem>>, vector<16xf32>,
        %parallel_loop3A_195 = arith.constant 0 : i32
        %parallel_loop3A_196 = arith.index_cast %parallel_loop3A_195 : i32 to index
        %parallel_loop3A_197 = arith.index_cast %parallel_loop3A_155 : i32 to index
        %parallel_loop3A_198 = arith.constant 48 : index
        %parallel_loop3A_199 = tpu.vector_load %arg6[%parallel_loop3A_196, %parallel_loop3A_197, %parallel_loop3A_198] {strides = array<i32>} : memref<2x128x128xf32, #tpu.memory_space<vmem>>, vector<16xf32>,
        %parallel_loop3A_200 = arith.constant 8.000000e+00 : f32
        %parallel_loop3A_201 = vector.broadcast %parallel_loop3A_200 : f32 to vector<16xf32>
        %parallel_loop3A_202 = arith.mulf %parallel_loop3A_199, %parallel_loop3A_201 : vector<16xf32>
        %parallel_loop3A_203 = arith.constant 0 : i32
        %parallel_loop3A_204 = arith.index_cast %parallel_loop3A_203 : i32 to index
        %parallel_loop3A_205 = arith.index_cast %parallel_loop3A_155 : i32 to index
        %parallel_loop3A_206 = arith.constant 48 : index
        %parallel_loop3A_207 = tpu.vector_load %arg7[%parallel_loop3A_204, %parallel_loop3A_205, %parallel_loop3A_206] {strides = array<i32>} : memref<2x128x64xf32, #tpu.memory_space<vmem>>, vector<16xf32>,
        tpu.vector_store %arg7[%parallel_loop3A_204, %parallel_loop3A_205, %parallel_loop3A_206], %parallel_loop3A_202 {strides = array<i32>} : memref<2x128x64xf32, #tpu.memory_space<vmem>>, vector<16xf32>,
      } {sc.loop_unroll_factor = 4 : i64, sc.parallel_access}
      %mul3A_87 = arith.constant 128 : i32
      %mul3A_88 = arith.muli %add3A_71, %mul3A_87 : i32
      %add3A_89 = arith.addi %mul3A_6, %mul3A_88 : i32
      %dma_start3A_90 = arith.constant 0 : i32
      %dma_start3A_91 = arith.constant 0 : i32
      %dma_start3A_92 = arith.constant 0 : i32
      %dma_start3A_93 = tpu.memref_slice %arg7[%dma_start3A_90, %dma_start3A_91, %dma_start3A_92] : memref<2x128x64xf32, #tpu.memory_space<vmem>> -> memref<1x128x64xf32, #tpu.memory_space<vmem>>
      %dma_start3A_94 = tpu.memref_squeeze %dma_start3A_93 : memref<1x128x64xf32, #tpu.memory_space<vmem>> -> memref<128x64xf32, #tpu.memory_space<vmem>>
      %dma_start3A_95 = arith.constant 0 : i32
      %dma_start3A_96 = tpu.memref_slice %arg4[%add3A_89, %dma_start3A_95] : memref<819200x64xf32, #tpu.memory_space<hbm>> -> memref<128x64xf32, #tpu.memory_space<hbm>>
      %dma_start3A_97 = arith.constant 0 : i32
      %dma_start3A_98 = tpu.memref_slice %arg4[%add3A_89, %dma_start3A_97] : memref<819200x64xf32, #tpu.memory_space<hbm>> -> memref<128x64xf32, #tpu.memory_space<hbm>>
      %dma_start3A_99 = arith.constant 0 : i32
      %dma_start3A_100 = arith.constant 0 : i32
      %dma_start3A_101 = tpu.memref_slice %arg7[%dma_start3A_90, %dma_start3A_99, %dma_start3A_100] : memref<2x128x64xf32, #tpu.memory_space<vmem>> -> memref<1x128x64xf32, #tpu.memory_space<vmem>>
      %dma_start3A_102 = tpu.memref_squeeze %dma_start3A_101 : memref<1x128x64xf32, #tpu.memory_space<vmem>> -> memref<128x64xf32, #tpu.memory_space<vmem>>
      tpu.enqueue_dma source(%dma_start3A_102 : memref<128x64xf32, #tpu.memory_space<vmem>>) target(%dma_start3A_98 : memref<128x64xf32, #tpu.memory_space<hbm>>) target_semaphore(%arg10 : memref<!tpu.dma_semaphore, #tpu.memory_space<semaphore_mem>>)
      %add3A_103 = arith.constant 2 : i32
      %add3A_104 = arith.addi %add3A_71, %add3A_103 : i32
      %lt3A = arith.constant 200 : i32
      %lt3A_105 = arith.cmpi slt, %add3A_104, %lt3A : i32
      %convert_element_type3A_106 = arith.extui %lt3A_105 : i1 to i32
      %cond3A_107 = arith.constant 0 : i32
      %cond3A_108 = arith.cmpi ne, %convert_element_type3A_106, %cond3A_107 : i32
      scf.if %cond3A_108 {
        %add3A_155 = arith.constant 2 : i32
        %add3A_156 = arith.addi %add3A_71, %add3A_155 : i32
        %dma_start3A_157 = arith.constant 0 : i32
        %dma_start3A_158 = arith.constant 0 : i32
        %dma_start3A_159 = arith.constant 0 : i32
        %dma_start3A_160 = tpu.memref_slice %arg6[%dma_start3A_157, %dma_start3A_158, %dma_start3A_159] : memref<2x128x128xf32, #tpu.memory_space<vmem>> -> memref<1x128x128xf32, #tpu.memory_space<vmem>>
        %dma_start3A_161 = tpu.memref_squeeze %dma_start3A_160 : memref<1x128x128xf32, #tpu.memory_space<vmem>> -> memref<128x128xf32, #tpu.memory_space<vmem>>
        %dma_start3A_162 = arith.constant 0 : i32
        %dma_start3A_163 = tpu.memref_slice %arg5[%add3A_156, %dma_start3A_162] : memref<200x128xi32, #tpu.memory_space<vmem>> -> memref<1x128xi32, #tpu.memory_space<vmem>>
        %dma_start3A_164 = tpu.memref_squeeze %dma_start3A_163 : memref<1x128xi32, #tpu.memory_space<vmem>> -> memref<128xi32, #tpu.memory_space<vmem>>
        %dma_start3A_165 = arith.constant 0 : i32
        %dma_start3A_166 = arith.constant 0 : i32
        %dma_start3A_167 = tpu.memref_slice %arg2[%dma_start3A_165, %dma_start3A_166] : memref<1000000x128xf32, #tpu.memory_space<hbm>> -> memref<1000000x128xf32, #tpu.memory_space<hbm>>
        tpu.enqueue_indirect_dma source(%dma_start3A_167 : memref<1000000x128xf32, #tpu.memory_space<hbm>>) target(%dma_start3A_161 : memref<128x128xf32, #tpu.memory_space<vmem>>) offsets(%dma_start3A_164 : memref<128xi32, #tpu.memory_space<vmem>>) semaphore(%arg8 : memref<!tpu.dma_semaphore, #tpu.memory_space<semaphore_mem>>)
      } else {
      }
      %mul3A_109 = arith.constant 2 : i32
      %mul3A_110 = arith.muli %add3A_67, %mul3A_109 : i32
      %add3A_111 = arith.constant 1 : i32
      %add3A_112 = arith.addi %mul3A_110, %add3A_111 : i32
      %dma_wait3A_113 = arith.constant 1 : i32
      %dma_wait3A_114 = arith.constant 0 : i32
      %dma_wait3A_115 = arith.constant 0 : i32
      %dma_wait3A_116 = tpu.memref_slice %arg6[%dma_wait3A_113, %dma_wait3A_114, %dma_wait3A_115] : memref<2x128x128xf32, #tpu.memory_space<vmem>> -> memref<1x128x128xf32, #tpu.memory_space<vmem>>
      %dma_wait3A_117 = tpu.memref_squeeze %dma_wait3A_116 : memref<1x128x128xf32, #tpu.memory_space<vmem>> -> memref<128x128xf32, #tpu.memory_space<vmem>>
      %dma_wait3A_118 = arith.constant 0 : i32
      %dma_wait3A_119 = tpu.memref_slice %arg5[%add3A_112, %dma_wait3A_118] : memref<200x128xi32, #tpu.memory_space<vmem>> -> memref<1x128xi32, #tpu.memory_space<vmem>>
      %dma_wait3A_120 = tpu.memref_squeeze %dma_wait3A_119 : memref<1x128xi32, #tpu.memory_space<vmem>> -> memref<128xi32, #tpu.memory_space<vmem>>
      %dma_wait3A_121 = arith.constant 0 : i32
      %dma_wait3A_122 = arith.constant 0 : i32
      %dma_wait3A_123 = tpu.memref_slice %arg2[%dma_wait3A_121, %dma_wait3A_122] : memref<1000000x128xf32, #tpu.memory_space<hbm>> -> memref<1000000x128xf32, #tpu.memory_space<hbm>>
      tpu.wait_indirect_dma semaphore(%arg9 : memref<!tpu.dma_semaphore, #tpu.memory_space<semaphore_mem>>) src(%dma_wait3A_123 : memref<1000000x128xf32, #tpu.memory_space<hbm>>) dst(%dma_wait3A_117 : memref<128x128xf32, #tpu.memory_space<vmem>>)
      %ge3A_124 = arith.constant 2 : i32
      %ge3A_125 = arith.cmpi sge, %add3A_112, %ge3A_124 : i32
      %convert_element_type3A_126 = arith.extui %ge3A_125 : i1 to i32
      %cond3A_127 = arith.constant 0 : i32
      %cond3A_128 = arith.cmpi ne, %convert_element_type3A_126, %cond3A_127 : i32
      scf.if %cond3A_128 {
        %sub3A = arith.constant 2 : i32
        %sub3A_155 = arith.subi %add3A_112, %sub3A : i32
        %mul3A_156 = arith.constant 128 : i32
        %mul3A_157 = arith.muli %sub3A_155, %mul3A_156 : i32
        %add3A_158 = arith.addi %mul3A_6, %mul3A_157 : i32
        %dma_wait3A_159 = arith.constant 1 : i32
        %dma_wait3A_160 = arith.constant 0 : i32
        %dma_wait3A_161 = arith.constant 0 : i32
        %dma_wait3A_162 = tpu.memref_slice %arg7[%dma_wait3A_159, %dma_wait3A_160, %dma_wait3A_161] : memref<2x128x64xf32, #tpu.memory_space<vmem>> -> memref<1x128x64xf32, #tpu.memory_space<vmem>>
        %dma_wait3A_163 = tpu.memref_squeeze %dma_wait3A_162 : memref<1x128x64xf32, #tpu.memory_space<vmem>> -> memref<128x64xf32, #tpu.memory_space<vmem>>
        %dma_wait3A_164 = arith.constant 0 : i32
        %dma_wait3A_165 = tpu.memref_slice %arg4[%add3A_158, %dma_wait3A_164] : memref<819200x64xf32, #tpu.memory_space<hbm>> -> memref<128x64xf32, #tpu.memory_space<hbm>>
        %dma_wait3A_166 = arith.constant 0 : i32
        %dma_wait3A_167 = tpu.memref_slice %arg4[%add3A_158, %dma_wait3A_166] : memref<819200x64xf32, #tpu.memory_space<hbm>> -> memref<128x64xf32, #tpu.memory_space<hbm>>
        %dma_wait3A_168 = arith.constant 0 : i32
        %dma_wait3A_169 = arith.constant 0 : i32
        %dma_wait3A_170 = tpu.memref_slice %arg7[%dma_wait3A_159, %dma_wait3A_168, %dma_wait3A_169] : memref<2x128x64xf32, #tpu.memory_space<vmem>> -> memref<1x128x64xf32, #tpu.memory_space<vmem>>
        %dma_wait3A_171 = tpu.memref_squeeze %dma_wait3A_170 : memref<1x128x64xf32, #tpu.memory_space<vmem>> -> memref<128x64xf32, #tpu.memory_space<vmem>>
        tpu.wait_dma2 semaphore(%arg11 : memref<!tpu.dma_semaphore, #tpu.memory_space<semaphore_mem>>) src(%dma_wait3A_171 : memref<128x64xf32, #tpu.memory_space<vmem>>) dst(%dma_wait3A_167 : memref<128x64xf32, #tpu.memory_space<hbm>>)
      } else {
      }
      %parallel_loop3A_129 = arith.constant 0 : i32
      %parallel_loop3A_130 = arith.constant 128 : i32
      %parallel_loop3A_131 = arith.constant 1 : i32
      scf.for %parallel_loop3A_155 = %parallel_loop3A_129 to %parallel_loop3A_130 step %parallel_loop3A_131  : i32 {
        %parallel_loop3A_156 = arith.constant 1 : i32
        %parallel_loop3A_157 = arith.index_cast %parallel_loop3A_156 : i32 to index
        %parallel_loop3A_158 = arith.index_cast %parallel_loop3A_155 : i32 to index
        %parallel_loop3A_159 = arith.constant 0 : index
        %parallel_loop3A_160 = tpu.vector_load %arg6[%parallel_loop3A_157, %parallel_loop3A_158, %parallel_loop3A_159] {strides = array<i32>} : memref<2x128x128xf32, #tpu.memory_space<vmem>>, vector<16xf32>,
        %parallel_loop3A_161 = arith.constant 8.000000e+00 : f32
        %parallel_loop3A_162 = vector.broadcast %parallel_loop3A_161 : f32 to vector<16xf32>
        %parallel_loop3A_163 = arith.mulf %parallel_loop3A_160, %parallel_loop3A_162 : vector<16xf32>
        %parallel_loop3A_164 = arith.constant 1 : i32
        %parallel_loop3A_165 = arith.index_cast %parallel_loop3A_164 : i32 to index
        %parallel_loop3A_166 = arith.index_cast %parallel_loop3A_155 : i32 to index
        %parallel_loop3A_167 = arith.constant 0 : index
        %parallel_loop3A_168 = tpu.vector_load %arg7[%parallel_loop3A_165, %parallel_loop3A_166, %parallel_loop3A_167] {strides = array<i32>} : memref<2x128x64xf32, #tpu.memory_space<vmem>>, vector<16xf32>,
        tpu.vector_store %arg7[%parallel_loop3A_165, %parallel_loop3A_166, %parallel_loop3A_167], %parallel_loop3A_163 {strides = array<i32>} : memref<2x128x64xf32, #tpu.memory_space<vmem>>, vector<16xf32>,
        %parallel_loop3A_169 = arith.constant 1 : i32
        %parallel_loop3A_170 = arith.index_cast %parallel_loop3A_169 : i32 to index
        %parallel_loop3A_171 = arith.index_cast %parallel_loop3A_155 : i32 to index
        %parallel_loop3A_172 = arith.constant 16 : index
        %parallel_loop3A_173 = tpu.vector_load %arg6[%parallel_loop3A_170, %parallel_loop3A_171, %parallel_loop3A_172] {strides = array<i32>} : memref<2x128x128xf32, #tpu.memory_space<vmem>>, vector<16xf32>,
        %parallel_loop3A_174 = arith.constant 8.000000e+00 : f32
        %parallel_loop3A_175 = vector.broadcast %parallel_loop3A_174 : f32 to vector<16xf32>
        %parallel_loop3A_176 = arith.mulf %parallel_loop3A_173, %parallel_loop3A_175 : vector<16xf32>
        %parallel_loop3A_177 = arith.constant 1 : i32
        %parallel_loop3A_178 = arith.index_cast %parallel_loop3A_177 : i32 to index
        %parallel_loop3A_179 = arith.index_cast %parallel_loop3A_155 : i32 to index
        %parallel_loop3A_180 = arith.constant 16 : index
        %parallel_loop3A_181 = tpu.vector_load %arg7[%parallel_loop3A_178, %parallel_loop3A_179, %parallel_loop3A_180] {strides = array<i32>} : memref<2x128x64xf32, #tpu.memory_space<vmem>>, vector<16xf32>,
        tpu.vector_store %arg7[%parallel_loop3A_178, %parallel_loop3A_179, %parallel_loop3A_180], %parallel_loop3A_176 {strides = array<i32>} : memref<2x128x64xf32, #tpu.memory_space<vmem>>, vector<16xf32>,
        %parallel_loop3A_182 = arith.constant 1 : i32
        %parallel_loop3A_183 = arith.index_cast %parallel_loop3A_182 : i32 to index
        %parallel_loop3A_184 = arith.index_cast %parallel_loop3A_155 : i32 to index
        %parallel_loop3A_185 = arith.constant 32 : index
        %parallel_loop3A_186 = tpu.vector_load %arg6[%parallel_loop3A_183, %parallel_loop3A_184, %parallel_loop3A_185] {strides = array<i32>} : memref<2x128x128xf32, #tpu.memory_space<vmem>>, vector<16xf32>,
        %parallel_loop3A_187 = arith.constant 8.000000e+00 : f32
        %parallel_loop3A_188 = vector.broadcast %parallel_loop3A_187 : f32 to vector<16xf32>
        %parallel_loop3A_189 = arith.mulf %parallel_loop3A_186, %parallel_loop3A_188 : vector<16xf32>
        %parallel_loop3A_190 = arith.constant 1 : i32
        %parallel_loop3A_191 = arith.index_cast %parallel_loop3A_190 : i32 to index
        %parallel_loop3A_192 = arith.index_cast %parallel_loop3A_155 : i32 to index
        %parallel_loop3A_193 = arith.constant 32 : index
        %parallel_loop3A_194 = tpu.vector_load %arg7[%parallel_loop3A_191, %parallel_loop3A_192, %parallel_loop3A_193] {strides = array<i32>} : memref<2x128x64xf32, #tpu.memory_space<vmem>>, vector<16xf32>,
        tpu.vector_store %arg7[%parallel_loop3A_191, %parallel_loop3A_192, %parallel_loop3A_193], %parallel_loop3A_189 {strides = array<i32>} : memref<2x128x64xf32, #tpu.memory_space<vmem>>, vector<16xf32>,
        %parallel_loop3A_195 = arith.constant 1 : i32
        %parallel_loop3A_196 = arith.index_cast %parallel_loop3A_195 : i32 to index
        %parallel_loop3A_197 = arith.index_cast %parallel_loop3A_155 : i32 to index
        %parallel_loop3A_198 = arith.constant 48 : index
        %parallel_loop3A_199 = tpu.vector_load %arg6[%parallel_loop3A_196, %parallel_loop3A_197, %parallel_loop3A_198] {strides = array<i32>} : memref<2x128x128xf32, #tpu.memory_space<vmem>>, vector<16xf32>,
        %parallel_loop3A_200 = arith.constant 8.000000e+00 : f32
        %parallel_loop3A_201 = vector.broadcast %parallel_loop3A_200 : f32 to vector<16xf32>
        %parallel_loop3A_202 = arith.mulf %parallel_loop3A_199, %parallel_loop3A_201 : vector<16xf32>
        %parallel_loop3A_203 = arith.constant 1 : i32
        %parallel_loop3A_204 = arith.index_cast %parallel_loop3A_203 : i32 to index
        %parallel_loop3A_205 = arith.index_cast %parallel_loop3A_155 : i32 to index
        %parallel_loop3A_206 = arith.constant 48 : index
        %parallel_loop3A_207 = tpu.vector_load %arg7[%parallel_loop3A_204, %parallel_loop3A_205, %parallel_loop3A_206] {strides = array<i32>} : memref<2x128x64xf32, #tpu.memory_space<vmem>>, vector<16xf32>,
        tpu.vector_store %arg7[%parallel_loop3A_204, %parallel_loop3A_205, %parallel_loop3A_206], %parallel_loop3A_202 {strides = array<i32>} : memref<2x128x64xf32, #tpu.memory_space<vmem>>, vector<16xf32>,
      } {sc.loop_unroll_factor = 4 : i64, sc.parallel_access}
      %mul3A_132 = arith.constant 128 : i32
      %mul3A_133 = arith.muli %add3A_112, %mul3A_132 : i32
      %add3A_134 = arith.addi %mul3A_6, %mul3A_133 : i32
      %dma_start3A_135 = arith.constant 1 : i32
      %dma_start3A_136 = arith.constant 0 : i32
      %dma_start3A_137 = arith.constant 0 : i32
      %dma_start3A_138 = tpu.memref_slice %arg7[%dma_start3A_135, %dma_start3A_136, %dma_start3A_137] : memref<2x128x64xf32, #tpu.memory_space<vmem>> -> memref<1x128x64xf32, #tpu.memory_space<vmem>>
      %dma_start3A_139 = tpu.memref_squeeze %dma_start3A_138 : memref<1x128x64xf32, #tpu.memory_space<vmem>> -> memref<128x64xf32, #tpu.memory_space<vmem>>
      %dma_start3A_140 = arith.constant 0 : i32
      %dma_start3A_141 = tpu.memref_slice %arg4[%add3A_134, %dma_start3A_140] : memref<819200x64xf32, #tpu.memory_space<hbm>> -> memref<128x64xf32, #tpu.memory_space<hbm>>
      %dma_start3A_142 = arith.constant 0 : i32
      %dma_start3A_143 = tpu.memref_slice %arg4[%add3A_134, %dma_start3A_142] : memref<819200x64xf32, #tpu.memory_space<hbm>> -> memref<128x64xf32, #tpu.memory_space<hbm>>
      %dma_start3A_144 = arith.constant 0 : i32
      %dma_start3A_145 = arith.constant 0 : i32
      %dma_start3A_146 = tpu.memref_slice %arg7[%dma_start3A_135, %dma_start3A_144, %dma_start3A_145] : memref<2x128x64xf32, #tpu.memory_space<vmem>> -> memref<1x128x64xf32, #tpu.memory_space<vmem>>
      %dma_start3A_147 = tpu.memref_squeeze %dma_start3A_146 : memref<1x128x64xf32, #tpu.memory_space<vmem>> -> memref<128x64xf32, #tpu.memory_space<vmem>>
      tpu.enqueue_dma source(%dma_start3A_147 : memref<128x64xf32, #tpu.memory_space<vmem>>) target(%dma_start3A_143 : memref<128x64xf32, #tpu.memory_space<hbm>>) target_semaphore(%arg11 : memref<!tpu.dma_semaphore, #tpu.memory_space<semaphore_mem>>)
      %add3A_148 = arith.constant 2 : i32
      %add3A_149 = arith.addi %add3A_112, %add3A_148 : i32
      %lt3A_150 = arith.constant 200 : i32
      %lt3A_151 = arith.cmpi slt, %add3A_149, %lt3A_150 : i32
      %convert_element_type3A_152 = arith.extui %lt3A_151 : i1 to i32
      %cond3A_153 = arith.constant 0 : i32
      %cond3A_154 = arith.cmpi ne, %convert_element_type3A_152, %cond3A_153 : i32
      scf.if %cond3A_154 {
        %add3A_155 = arith.constant 2 : i32
        %add3A_156 = arith.addi %add3A_112, %add3A_155 : i32
        %dma_start3A_157 = arith.constant 1 : i32
        %dma_start3A_158 = arith.constant 0 : i32
        %dma_start3A_159 = arith.constant 0 : i32
        %dma_start3A_160 = tpu.memref_slice %arg6[%dma_start3A_157, %dma_start3A_158, %dma_start3A_159] : memref<2x128x128xf32, #tpu.memory_space<vmem>> -> memref<1x128x128xf32, #tpu.memory_space<vmem>>
        %dma_start3A_161 = tpu.memref_squeeze %dma_start3A_160 : memref<1x128x128xf32, #tpu.memory_space<vmem>> -> memref<128x128xf32, #tpu.memory_space<vmem>>
        %dma_start3A_162 = arith.constant 0 : i32
        %dma_start3A_163 = tpu.memref_slice %arg5[%add3A_156, %dma_start3A_162] : memref<200x128xi32, #tpu.memory_space<vmem>> -> memref<1x128xi32, #tpu.memory_space<vmem>>
        %dma_start3A_164 = tpu.memref_squeeze %dma_start3A_163 : memref<1x128xi32, #tpu.memory_space<vmem>> -> memref<128xi32, #tpu.memory_space<vmem>>
        %dma_start3A_165 = arith.constant 0 : i32
        %dma_start3A_166 = arith.constant 0 : i32
        %dma_start3A_167 = tpu.memref_slice %arg2[%dma_start3A_165, %dma_start3A_166] : memref<1000000x128xf32, #tpu.memory_space<hbm>> -> memref<1000000x128xf32, #tpu.memory_space<hbm>>
        tpu.enqueue_indirect_dma source(%dma_start3A_167 : memref<1000000x128xf32, #tpu.memory_space<hbm>>) target(%dma_start3A_161 : memref<128x128xf32, #tpu.memory_space<vmem>>) offsets(%dma_start3A_164 : memref<128xi32, #tpu.memory_space<vmem>>) semaphore(%arg9 : memref<!tpu.dma_semaphore, #tpu.memory_space<semaphore_mem>>)
      } else {
      }
    }
    %scan3A_33 = arith.constant 100 : i32
    %add3A_34 = arith.constant 25344 : i32
    %add3A_35 = arith.addi %mul3A_6, %add3A_34 : i32
    %dma_wait3A = arith.constant 0 : i32
    %dma_wait3A_36 = arith.constant 0 : i32
    %dma_wait3A_37 = arith.constant 0 : i32
    %dma_wait3A_38 = tpu.memref_slice %arg7[%dma_wait3A, %dma_wait3A_36, %dma_wait3A_37] : memref<2x128x64xf32, #tpu.memory_space<vmem>> -> memref<1x128x64xf32, #tpu.memory_space<vmem>>
    %dma_wait3A_39 = tpu.memref_squeeze %dma_wait3A_38 : memref<1x128x64xf32, #tpu.memory_space<vmem>> -> memref<128x64xf32, #tpu.memory_space<vmem>>
    %dma_wait3A_40 = arith.constant 0 : i32
    %dma_wait3A_41 = tpu.memref_slice %arg4[%add3A_35, %dma_wait3A_40] : memref<819200x64xf32, #tpu.memory_space<hbm>> -> memref<128x64xf32, #tpu.memory_space<hbm>>
    %dma_wait3A_42 = arith.constant 0 : i32
    %dma_wait3A_43 = tpu.memref_slice %arg4[%add3A_35, %dma_wait3A_42] : memref<819200x64xf32, #tpu.memory_space<hbm>> -> memref<128x64xf32, #tpu.memory_space<hbm>>
    %dma_wait3A_44 = arith.constant 0 : i32
    %dma_wait3A_45 = arith.constant 0 : i32
    %dma_wait3A_46 = tpu.memref_slice %arg7[%dma_wait3A, %dma_wait3A_44, %dma_wait3A_45] : memref<2x128x64xf32, #tpu.memory_space<vmem>> -> memref<1x128x64xf32, #tpu.memory_space<vmem>>
    %dma_wait3A_47 = tpu.memref_squeeze %dma_wait3A_46 : memref<1x128x64xf32, #tpu.memory_space<vmem>> -> memref<128x64xf32, #tpu.memory_space<vmem>>
    tpu.wait_dma2 semaphore(%arg10 : memref<!tpu.dma_semaphore, #tpu.memory_space<semaphore_mem>>) src(%dma_wait3A_47 : memref<128x64xf32, #tpu.memory_space<vmem>>) dst(%dma_wait3A_43 : memref<128x64xf32, #tpu.memory_space<hbm>>)
    %add3A_48 = arith.constant 25472 : i32
    %add3A_49 = arith.addi %mul3A_6, %add3A_48 : i32
    %dma_wait3A_50 = arith.constant 1 : i32
    %dma_wait3A_51 = arith.constant 0 : i32
    %dma_wait3A_52 = arith.constant 0 : i32
    %dma_wait3A_53 = tpu.memref_slice %arg7[%dma_wait3A_50, %dma_wait3A_51, %dma_wait3A_52] : memref<2x128x64xf32, #tpu.memory_space<vmem>> -> memref<1x128x64xf32, #tpu.memory_space<vmem>>
    %dma_wait3A_54 = tpu.memref_squeeze %dma_wait3A_53 : memref<1x128x64xf32, #tpu.memory_space<vmem>> -> memref<128x64xf32, #tpu.memory_space<vmem>>
    %dma_wait3A_55 = arith.constant 0 : i32
    %dma_wait3A_56 = tpu.memref_slice %arg4[%add3A_49, %dma_wait3A_55] : memref<819200x64xf32, #tpu.memory_space<hbm>> -> memref<128x64xf32, #tpu.memory_space<hbm>>
    %dma_wait3A_57 = arith.constant 0 : i32
    %dma_wait3A_58 = tpu.memref_slice %arg4[%add3A_49, %dma_wait3A_57] : memref<819200x64xf32, #tpu.memory_space<hbm>> -> memref<128x64xf32, #tpu.memory_space<hbm>>
    %dma_wait3A_59 = arith.constant 0 : i32
    %dma_wait3A_60 = arith.constant 0 : i32
    %dma_wait3A_61 = tpu.memref_slice %arg7[%dma_wait3A_50, %dma_wait3A_59, %dma_wait3A_60] : memref<2x128x64xf32, #tpu.memory_space<vmem>> -> memref<1x128x64xf32, #tpu.memory_space<vmem>>
    %dma_wait3A_62 = tpu.memref_squeeze %dma_wait3A_61 : memref<1x128x64xf32, #tpu.memory_space<vmem>> -> memref<128x64xf32, #tpu.memory_space<vmem>>
    tpu.wait_dma2 semaphore(%arg11 : memref<!tpu.dma_semaphore, #tpu.memory_space<semaphore_mem>>) src(%dma_wait3A_62 : memref<128x64xf32, #tpu.memory_space<vmem>>) dst(%dma_wait3A_58 : memref<128x64xf32, #tpu.memory_space<hbm>>)
    return
  }
}

</mosaic_0001>

<sc_bundles>
// kernel: kernel.3.cloned.1.call-start
scs
__scs_entry_jumppad:
0x0: {  	(pc) =	sbr.rel $0x88, $3  }
0x1: {  	(tag) =	ssettag $0x0;
	lr =	simm.s32 $0x1  }
0x2: {  	[smem:$0x3F9F] =	sst lr;
	_ =	strace $0xD0000000  }
0x3: {  	_ = 	snop  }
0x4: {  	_ = 	snop  }
0x5: {  	_ = 	snop  }
0x6: {  	_ = 	snop  }
0x7: {  	_ = 	snop  }
__scs_overlays_trampoline_lowered:
0x8: {  	[smem:$0x3FAE] =	sst s0  }
0x9: {  	[smem:$0x3FAF] =	sst s1  }
0xa: {  	[smem:$0x3FB0] =	sst s2  }
0xb: {  	[smem:$0x3FB1] =	sst s3  }
0xc: {  	[smem:$0x3FB2] =	sst s4  }
0xd: {  	[smem:$0x3FB3] =	sst s5  }
0xe: {  	[smem:$0x3FB4] =	sst s6  }
0xf: {  	[smem:$0x3FB5] =	sst s7  }
0x10: {  	[smem:$0x3FB6] =	sst s8  }
0x11: {  	[smem:$0x3FB7] =	sst s9;
	s0 =	simm.s32 @!p0 $0x0  }
0x12: {  	s1 =	sld [smem:$0x3F9D];
	s0 =	simm.s32 @p0 $0x1  }
0x13: {  	[smem:$0x3FB8] =	sst s0;
	s0 =	simm.s32 @!p1 $0x0  }
0x14: {  	s2 =	sld [smem:$0x3F9C];
	s0 =	simm.s32 @p1 $0x1  }
0x15: {  	[smem:$0x3FB9] =	sst s0;
	s0 =	simm.s32 @!p2 $0x0  }
0x16: {  	s3 =	sld [smem:$0x3FDB];
	s0 =	simm.s32 @p2 $0x1  }
0x17: {  	s4 =	simm.s32 $0x1BF5;
	[smem:$0x3FBB] =	sst s0  }
0x18: {  	s0 =	sld [smem:$0x3F9E];
	_ =	swait.ge [sflag:s4], $0x0  }
0x19: {  	s7 =	sld [smem:$0x3F9F]  }
0x1a: {  	s8 =	sadd.s32 $0xFFFFE003, lr  }
0x1b: {  	s9 =	sadd.s32 $0xFFFFFEF7, lr;
	s5 =	simm.s32 $0xFFFFFFFF;
	p2 =	slt.u32 s8, $0xFFFFF086  }
0x1c: {  	p1 =	slt.u32 s9, $0xF7A;
	s5 =	simm.s32 @!p2 $0x0  }
0x1d: {  	s5 =	simm.s32 @p1 $0x1;
	p0 =	seq.s32 s7, s2  }
0x1e: {  	s7 =	smul.u32 @!p0 $0xF7A, s2;
	p2 =	seq.s32 @!p0 s5, $0x0  }
0x1f: {  	s9 =	smul.u32 $0xF7A, s1;
	s8 =	simm.s32 @!p0 $0x1BF5;
	p2 =	por !p2, p0  }
0x20: {  	[sflag:s8] =	ssyncset.s32 @!p0 $0xFFFFF086;
	s6 =	sadd.s32 @!p0 s3, s7;
	s7 =	simm.s32 @!p0 $0x108  }
0x21: {  	s3 =	sadd.s32 s3, s9;
	s6 =	sadd.s32 @!p0 $0x88, s6;
	s7 =	simm.s32 @p2 $0x1082  }
0x22: {  	[simem:s7], [sflag:s8] =	dma.local @!p0 [hbm:s6], $0xF7A  }
0x23: {  	s9 =	sor.u32 $0xD0000000, s2;
	s6 =	simm.s32 $0x108;
	_ =	swait.ge @!p0 [sflag:s8], $0x0  }
0x24: {  	s3 =	sadd.s32 $0x88, s3;
	s6 =	simm.s32 @!p1 $0x1082;
	[sflag:s4] =	ssyncset.s32 $0xFFFFF086  }
0x25: {  	[simem:s6], [sflag:s4] =	dma.local [hbm:s3], $0xF7A  }
0x26: {  	[smem:$0x3F9F] =	sst s1;
	(tag) =	ssettag s2;
	_ =	strace s9  }
0x27: {  	s1 =	sld [smem:$0x3FAF]  }
0x28: {  	s2 =	sld [smem:$0x3FB0]  }
0x29: {  	s4 =	sld [smem:$0x3FB2]  }
0x2a: {  	p0 =	seq.s32 s5, $0x0;
	s5 =	sld [smem:$0x3FB3]  }
0x2b: {  	s6 =	sld [smem:$0x3FB4]  }
0x2c: {  	s7 =	sld [smem:$0x3FB5]  }
0x2d: {  	s3 =	simm.s32 $0x108;
	s8 =	sld [smem:$0x3FB6]  }
0x2e: {  	s3 =	simm.s32 @!p0 $0x1082;
	s9 =	sld [smem:$0x3FB7]  }
0x2f: {  	lr =	sadd.s32 s0, s3;
	s0 =	sld [smem:$0x3FAE]  }
0x30: {  	s3 =	sld [smem:$0x3FB1]  }
0x31: {  	[smem:$0x3FBA] =	sst s10  }
0x32: {  	s10 =	sld [smem:$0x3FB8];
	_ =	sdelay $0x3  }
0x33: {  	p0 =	seq.s32 s10, $0x1;
	s10 =	sld [smem:$0x3FBA];
	_ =	sdelay $0x3  }
0x34: {  	[smem:$0x3FBA] =	sst s10  }
0x35: {  	s10 =	sld [smem:$0x3FB9];
	_ =	sdelay $0x3  }
0x36: {  	p1 =	seq.s32 s10, $0x1;
	s10 =	sld [smem:$0x3FBA];
	_ =	sdelay $0x3  }
0x37: {  	[smem:$0x3FBA] =	sst s10  }
0x38: {  	s10 =	sld [smem:$0x3FBB]  }
0x39: {  	_ = 	snop;
	(pc) =	sbr.ind lr, $3  }
0x3a: {  	_ = 	snop  }
0x3b: {  	_ = 	snop  }
0x3c: {  	p2 =	seq.s32 s10, $0x1;
	s10 =	sld [smem:$0x3FBA]  }
0x3d: {  	_ =	shalt  }
0x3e: {  	_ =	shalt  }
0x3f: {  	_ =	shalt  }
0x40: {  	_ =	shalt  }
0x41: {  	_ =	shalt  }
0x42: {  	_ =	shalt  }
0x43: {  	_ =	shalt  }
0x44: {  	_ =	shalt  }
0x45: {  	_ =	shalt  }
0x46: {  	_ =	shalt  }
0x47: {  	_ =	shalt  }
0x48: {  	_ =	shalt  }
0x49: {  	_ =	shalt  }
0x4a: {  	_ =	shalt  }
0x4b: {  	_ =	shalt  }
0x4c: {  	_ =	shalt  }
0x4d: {  	_ =	shalt  }
0x4e: {  	_ =	shalt  }
0x4f: {  	_ =	shalt  }
0x50: {  	_ =	shalt  }
0x51: {  	_ =	shalt  }
0x52: {  	_ =	shalt  }
0x53: {  	_ =	shalt  }
0x54: {  	_ =	shalt  }
0x55: {  	_ =	shalt  }
0x56: {  	_ =	shalt  }
0x57: {  	_ =	shalt  }
0x58: {  	_ =	shalt  }
0x59: {  	_ =	shalt  }
0x5a: {  	_ =	shalt  }
0x5b: {  	_ =	shalt  }
0x5c: {  	_ =	shalt  }
0x5d: {  	_ =	shalt  }
0x5e: {  	_ =	shalt  }
0x5f: {  	_ =	shalt  }
0x60: {  	_ =	shalt  }
0x61: {  	_ =	shalt  }
0x62: {  	_ =	shalt  }
0x63: {  	_ =	shalt  }
0x64: {  	_ =	shalt  }
0x65: {  	_ =	shalt  }
0x66: {  	_ =	shalt  }
0x67: {  	_ =	shalt  }
0x68: {  	_ =	shalt  }
0x69: {  	_ =	shalt  }
0x6a: {  	_ =	shalt  }
0x6b: {  	_ =	shalt  }
0x6c: {  	_ =	shalt  }
0x6d: {  	_ =	shalt  }
0x6e: {  	_ =	shalt  }
0x6f: {  	_ =	shalt  }
0x70: {  	_ =	shalt  }
0x71: {  	_ =	shalt  }
0x72: {  	_ =	shalt  }
0x73: {  	_ =	shalt  }
0x74: {  	_ =	shalt  }
0x75: {  	_ =	shalt  }
0x76: {  	_ =	shalt  }
0x77: {  	_ =	shalt  }
0x78: {  	_ =	shalt  }
0x79: {  	_ =	shalt  }
0x7a: {  	_ =	shalt  }
0x7b: {  	_ =	shalt  }
0x7c: {  	_ =	shalt  }
0x7d: {  	_ =	shalt  }
0x7e: {  	_ =	shalt  }
0x7f: {  	_ =	shalt  }
0x80: {  	_ =	shalt  }
0x81: {  	_ =	shalt  }
0x82: {  	_ =	shalt  }
0x83: {  	_ =	shalt  }
0x84: {  	_ =	shalt  }
0x85: {  	_ =	shalt  }
0x86: {  	_ =	shalt  }
0x87: {  	_ =	shalt  }
.Lfunc_end0:
.L_simem_size_0:
called_computation.1_lowered:
.L_overlay_start_0:
0x88: {  	s2 =	sld [smem:$0x3FD9]  }
0x89: {  	s3 =	sld [smem:$0x3FFE];
	_ =	sdelay $0x1  }
0x8a: {  	s1 =	srdreg.scid  }
0x8b: {  	s0 =	sand.u32 $0x1, s1  }
0x8c: {  	s17 =	sshll.u32 s0, $0xA;
	s2 =	sadd.s32 s3, s2  }
0x8d: {  	s2 =	sadd.s32 s2, s17  }
0x8e: {  	[smem:$0x3FC6] =	sst s2  }
0x8f: {  	_ = 	snop  }
0x90: {  	s2 =	sld [smem:$0x3FD0];
	(tm) =	ssettm $0x1  }
0x91: {  	s18 =	sld [smem:$0x3FFB];
	_ =	sdelay $0x3  }
0x92: {  	_ =	strace s18  }
0x93: {  	s3 =	sld [smem:$0x3FFC];
	_ =	sdelay $0x3  }
0x94: {  	_ =	strace s3  }
0x95: {  	s3 =	sld [smem:$0x3FFD];
	_ =	sdelay $0x3  }
0x96: {  	_ =	strace s3  }
0x97: {  	_ =	strace $0x8FFFFFFF  }
0x98: {  	s19 =	sld [smem:$0x3FDB];
	_ =	sdelay $0x1  }
0x99: {  	s4 =	simm.s32 $_scs_section_size  }
0x9a: {  	s5 =	simm.s32 $_size__tile_overlayer_lowered;
	s6 =	simm.s32 $_tile_overlayer_lowered  }
0x9b: {  	s22 =	simm.s32 $0x1BFF;
	s21 =	sshll.u32 s6, $0x1;
	s3 =	sadd.s32 s4, s19  }
0x9c: {  	s7 =	simm.s32 $0x0;
	s20 =	sshll.u32 s5, $0x1;
	s5 =	sadd.s32 s21, s3  }
0x9d: {  	[timem:s7], [sflag:s22] =	dma.local [hbm:s5], s20  }
0x9e: {  	_ =	swait.ge [sflag:s22], s20  }
0x9f: {  	s4 =	ssub.s32 $0x0, s20;
	[sflag:s22] =	ssyncset.done $0x0  }
0xa0: {  	[sflag:s22] =	ssyncadd.s32 s4;
	_ =	sdelay $0x1  }
0xa1: {  	s23 =	simm.s32 $0x1B8B  }
0xa2: {  	_ =	swait.ge [sflag:s23], $0x1  }
0xa3: {  	[sflag:s23] =	ssyncset.done $0x0  }
0xa4: {  	s25 =	simm.s32 $0x1B8E;
	s24 =	sld [smem:$0x3FFE];
	[sflag:s23] =	ssyncadd.s32 $0xFFFFFFFF  }
0xa5: {  	s26 =	simm.s32 $execute0_lowered;
	[smem:$0x3FD2] =	sst s25  }
0xa6: {  	s5 =	sshll.u32 s26, $0x1;
	_ =	strace $0x80000046;
	[dreg:$0x1] =	wrdreg $0xFFFFFFFF  }
0xa7: {  	s28 =	simm.s32 $_size_execute0_lowered;
	s3 =	sadd.s32 s3, s5;
	[dreg:$0x0] =	wrdreg $0x0  }
0xa8: {  	s5 =	sshll.u32 s28, $0x1;
	[dreg:$0x2] =	wrdreg s3  }
0xa9: {  	[dreg:$0x3] =	wrdreg s5  }
0xaa: {  	[dreg:$0x4] =	wrdreg $0xC0  }
0xab: {  	_ =	task [dreg:s7], $0x5FFFF  }
0xac: {  	[dreg:$0x1] =	wrdreg $0xFFFFFFFF  }
0xad: {  	[dreg:$0x0] =	wrdreg $0x60  }
0xae: {  	[dreg:$0x2] =	wrdreg s24  }
0xaf: {  	[dreg:$0x3] =	wrdreg s2  }
0xb0: {  	[dreg:$0x4] =	wrdreg $0x9  }
0xb1: {  	_ =	task.clear_ibuf [dreg:s7], $0x5FFFF;
	_ =	strace $0x90000046  }
0xb2: {  	s29 =	simm.s32 $0x9;
	_ =	strace $0x80000048  }
0xb3: {  	_ =	swait.ge [sflag:s29], $0x1  }
0xb4: {  	[sflag:s29] =	ssyncadd.s32 $0xFFFFFFFF  }
0xb5: {  	_ =	strace $0x90000048  }
0xb6: {  	_ =	sfence  }
0xb7: {  	s30 =	sld [smem:$0x0];
	_ =	sdelay $0x2  }
0xb8: {  	s31 =	sshll.u32 s1, $0xD;
	s1 =	sshrl.u32 s1, $0x2  }
0xb9: {  	s3 =	sand.u32 $0x4000, s31;
	s1 =	sadd.s32 s1, s30  }
0xba: {  	s0 =	sor.u32 s3, s0;
	s1 =	sshll.u32 s1, $0x11  }
0xbb: {  	s0 =	sor.u32 s1, s0  }
0xbc: {  	s0 =	sadd.s32 $0x8F2B, s0  }
0xbd: {  	[sflag:s0] =	ssyncadd.remote.s32 $0x1  }
0xbe: {  	_ =	sfence.sel $0xFFFF  }
0xbf: {  	[dreg:$0x0] =	wrdreg $0xFFFFFFFF;
	(pc) =	sbr.abs _section_cstart, $3  }
0xc0: {  	[dreg:$0x1] =	wrdreg $0xFFFFFFFF  }
0xc1: {  	_ =	task.clear_ibuf [dreg:s7], $0x2FFFF;
	_ =	strace $0x9FFFFFFF  }
0xc2: {  	(tm) =	ssettm $0x7FFFFFFF  }
0xc3: {  	_ =	shalt  }
tec
execute0_lowered:
.L_overlay_start_1:
0x0: {  	(tag) =	ssettag $0x1  }
0x1: {  	s4 =	rddreg [dreg:$0x0]  }
0x2: {  	s5 =	rddreg [dreg:$0x1]  }
0x3: {  	s0 =	rddreg [dreg:$0x2]  }
0x4: {  	s3 =	srdreg.scid;
	s1 =	stileid.u32;
	s2 =	simm.s32 $0x0  }
0x5: {  	s11 =	simm.s32 $0x6400;
	s12 =	simm.s32 $0xA400;
	s13 =	simm.s32 $0x1  }
0x6: {  	s14 =	simm.s32 $0xE400;
	s15 =	simm.s32 $0x2;
	s16 =	simm.s32 $0x4  }
0x7: {  	s17 =	simm.s32 $0x12400;
	s3 =	sand.u32 $0x1, s3;
	s6 =	sshll.u32 s1, $0x1  }
0x8: {  	s18 =	simm.s32 $0x3;
	s19 =	simm.s32 $0x0;
	s6 =	sor.u32 s3, s6  }
0x9: {  	s28 =	simm.s32 $0x6500;
	[smem:$0x7FF] =	sst s2;
	s8 =	smul.u32 $0xC80, s6  }
.Ltmp0:
0xa: {  	_ =	strace $0x80000047;
	s7 =	ssub.s32 $0x2, s3;
	(pc) =	sbr.rel .LBB2_1-.Ltmp0, $4  }
0xb: {  	s3 =	sadd.s32 $0xF42E00, s4;
	s9 =	sshrl.u32 s7, $0x1;
	s10 =	smul.u32 $0x64000, s6  }
0xc: {  	s4 =	sadd.s32 $0xA00, s4;
	s6 =	smul.u32 $0x320000, s6;
	s7 =	ssub.s32 s7, s9  }
0xd: {  	s9 =	simm.s32 $0x5;
	s5 =	sadd.s32 s5, s8;
	s31 =	sadd.s32 s10, s4  }
0xe: {  	s7 =	smax.u32 s7, $0x1;
	s10 =	simm.s32 $0x80;
	s8 =	sadd.s32 $0x800, s31  }
.LBB2_12:
0xf: {  	s19 =	sadd.s32 $0x1, s19  }
0x10: {  	_ =	swait.ge [sflag:s18], $0x4000;
	p0 =	sne.s32 s19, s7  }
.Ltmp1:
0x11: {  	[sflag:s18] =	ssyncset.done $0x0;
	(pc) =	sbr.rel @!p0 .LBB2_13-.Ltmp1, $4  }
0x12: {  	[sflag:s18] =	ssyncadd.s32 $0xFFFFC000  }
0x13: {  	_ =	swait.ge [sflag:s16], $0x4000  }
0x14: {  	[sflag:s16] =	ssyncset.done $0x0  }
0x15: {  	[sflag:s16] =	ssyncadd.s32 $0xFFFFC000  }
.LBB2_1:
0x16: {  	[tilespmem:s2], [sflag:$0x5] =	stream.linear.gather [hbm4b:s5+s2], $0x6400, $0x38;
	[tilespmem:$0x16400] =	vst v63  }
0x17: {  	_ =	swait.ge [sflag:s9], $0x6400  }
0x18: {  	[sflag:s9] =	ssyncset.done $0x0  }
0x19: {  	[sflag:s9] =	ssyncadd.s32 $0xFFFF9C00  }
0x1a: {  	[tilespmem:s11], [sflag:$0x1] =	stream.indirect.gather [hbm4b:s3+s10], $0x80, s2, s10, $0xb8;
	[tilespmem:$0x16400] =	vst v63  }
0x1b: {  	s20 =	simm.s32 $0x0  }
0x1c: {  	[tilespmem:s12], [sflag:$0x2] =	stream.indirect.gather [hbm4b:s3+s10], $0x80, s10, s10, $0xb8;
	[tilespmem:$0x16400] =	vst v63  }
.LBB2_2:
0x1d: {  	_ =	swait.ge [sflag:s13], $0x4000  }
0x1e: {  	p0 =	seq.s32 s20, $0x0;
	[sflag:s13] =	ssyncset.done $0x0  }
0x1f: {  	s21 =	simm.s32 @!p0 $0x3;
	[sflag:s13] =	ssyncadd.s32 $0xFFFFC000  }
0x20: {  	_ =	swait.ge @!p0 [sflag:s21], $0x4000  }
0x21: {  	[sflag:s21] =	ssyncset.done @!p0 $0x0  }
0x22: {  	[sflag:s21] =	ssyncadd.s32 @!p0 $0xFFFFC000  }
0x23: {  	v0 =	vld [tilespmem:s28+$0x80];
	_ =	sdelay $0x3  }
0x24: {  	v1 =	vld [tilespmem:s28+$0xFFFFFF00]  }
0x25: {  	v2 =	vld [tilespmem:s28+$0xFFFFFF80];
	v0 =	vmul.f32 $8.000000000e+00, v0  }
0x26: {  	s22 =	simm.s32 $0xE500;
	v3 =	vld [tilespmem:s28+$0x0]  }
0x27: {  	[tilespmem:s22+$0x80] =	vst v0  }
0x28: {  	v0 =	vld [tilespmem:s28+$0x90]  }
0x29: {  	v1 =	vmul.f32 $8.000000000e+00, v1  }
0x2a: {  	v2 =	vmul.f32 $8.000000000e+00, v2  }
0x2b: {  	v3 =	vmul.f32 $8.000000000e+00, v3;
	[tilespmem:s22+$0xFFFFFF00] =	vst v1  }
0x2c: {  	[tilespmem:s22+$0xFFFFFF80] =	vst v2;
	v1 =	vld [tilespmem:s28+$0xFFFFFF10]  }
0x2d: {  	[tilespmem:s22+$0x0] =	vst v3;
	v2 =	vld [tilespmem:s28+$0xFFFFFF90];
	v0 =	vmul.f32 $8.000000000e+00, v0  }
0x2e: {  	s23 =	simm.s32 $0x6700;
	v3 =	vld [tilespmem:s28+$0x10]  }
0x2f: {  	[tilespmem:s22+$0x90] =	vst v0;
	v0 =	vld [tilespmem:s23+$0x80]  }
0x30: {  	v4 =	vld [tilespmem:s28+$0xA0]  }
0x31: {  	v5 =	vld [tilespmem:s23+$0xFFFFFF80];
	v1 =	vmul.f32 $8.000000000e+00, v1  }
0x32: {  	v6 =	vld [tilespmem:s23+$0x0];
	v2 =	vmul.f32 $8.000000000e+00, v2  }
0x33: {  	v3 =	vmul.f32 $8.000000000e+00, v3;
	[tilespmem:s22+$0xFFFFFF10] =	vst v1;
	v1 =	vld [tilespmem:s23+$0xFFFFFF00]  }
0x34: {  	[tilespmem:s22+$0xFFFFFF90] =	vst v2;
	v2 =	vld [tilespmem:s28+$0xFFFFFF20];
	v0 =	vmul.f32 $8.000000000e+00, v0  }
0x35: {  	s24 =	simm.s32 $0xE700;
	[tilespmem:s22+$0x10] =	vst v3;
	v7 =	vld [tilespmem:s28+$0xFFFFFFA0];
	v3 =	vmul.f32 $8.000000000e+00, v4  }
0x36: {  	v4 =	vmul.f32 $8.000000000e+00, v5;
	[tilespmem:s24+$0x80] =	vst v0;
	v0 =	vld [tilespmem:s28+$0x20]  }
0x37: {  	v5 =	vmul.f32 $8.000000000e+00, v6;
	v6 =	vld [tilespmem:s23+$0x90];
	[tilespmem:s22+$0xA0] =	vst v3  }
0x38: {  	v1 =	vmul.f32 $8.000000000e+00, v1;
	[tilespmem:s24+$0xFFFFFF80] =	vst v4;
	v8 =	vld [tilespmem:s28+$0xB0]  }
0x39: {  	v2 =	vmul.f32 $8.000000000e+00, v2;
	[tilespmem:s24+$0x0] =	vst v5;
	v9 =	vld [tilespmem:s23+$0xFFFFFF90]  }
0x3a: {  	[tilespmem:s24+$0xFFFFFF00] =	vst v1;
	v5 =	vmul.f32 $8.000000000e+00, v7;
	v3 =	vld [tilespmem:s23+$0x10]  }
0x3b: {  	v4 =	vld [tilespmem:s23+$0xFFFFFF10];
	[tilespmem:s22+$0xFFFFFF20] =	vst v2;
	v2 =	vmul.f32 $8.000000000e+00, v0  }
0x3c: {  	v1 =	vld [tilespmem:s28+$0xFFFFFF30];
	[tilespmem:s22+$0xFFFFFFA0] =	vst v5;
	v7 =	vmul.f32 $8.000000000e+00, v6  }
0x3d: {  	v0 =	vld [tilespmem:s28+$0xFFFFFFB0];
	[tilespmem:s22+$0x20] =	vst v2;
	v5 =	vmul.f32 $8.000000000e+00, v8  }
0x3e: {  	s25 =	simm.s32 $0x4;
	s26 =	simm.s32 $0x6900;
	s21 =	sshll.u32 s20, $0xA;
	v6 =	vmul.f32 $8.000000000e+00, v9;
	[tilespmem:s24+$0x90] =	vst v7;
	v2 =	vld [tilespmem:s28+$0x30]  }
.LBB2_3:
0x3f: {  	v7 =	vld [tilespmem:s26+$0x80];
	v3 =	vmul.f32 $8.000000000e+00, v3;
	[tilespmem:s22+$0xB0] =	vst v5  }
0x40: {  	s25 =	sadd.s32 $0x4, s25;
	v4 =	vmul.f32 $8.000000000e+00, v4;
	[tilespmem:s24+$0xFFFFFF90] =	vst v6;
	v5 =	vld [tilespmem:s23+$0xA0]  }
0x41: {  	p1 =	slt.u32 s25, $0x7C;
	v6 =	vld [tilespmem:s26+$0xFFFFFF80];
	[tilespmem:s24+$0x10] =	vst v3;
	v1 =	vmul.f32 $8.000000000e+00, v1  }
0x42: {  	v3 =	vld [tilespmem:s26+$0x0];
	[tilespmem:s24+$0xFFFFFF10] =	vst v4;
	v0 =	vmul.f32 $8.000000000e+00, v0  }
0x43: {  	v4 =	vld [tilespmem:s26+$0xFFFFFF00];
	[tilespmem:s22+$0xFFFFFF30] =	vst v1;
	v1 =	vmul.f32 $8.000000000e+00, v2  }
0x44: {  	v2 =	vmul.f32 $8.000000000e+00, v7;
	v7 =	vld [tilespmem:s23+$0xFFFFFF20];
	[tilespmem:s22+$0xFFFFFFB0] =	vst v0  }
0x45: {  	v0 =	vld [tilespmem:s23+$0xFFFFFFA0];
	v5 =	vmul.f32 $8.000000000e+00, v5;
	[tilespmem:s22+$0x30] =	vst v1;
	s22 =	smov.u32 s24;
	s24 =	sadd.s32 $0x200, s24  }
0x46: {  	v1 =	vmul.f32 $8.000000000e+00, v6;
	[tilespmem:s24+$0x80] =	vst v2;
	v2 =	vld [tilespmem:s23+$0x20]  }
0x47: {  	v3 =	vmul.f32 $8.000000000e+00, v3;
	v6 =	vld [tilespmem:s26+$0x90];
	[tilespmem:s22+$0xA0] =	vst v5  }
0x48: {  	v4 =	vmul.f32 $8.000000000e+00, v4;
	[tilespmem:s24+$0xFFFFFF80] =	vst v1;
	v5 =	vld [tilespmem:s23+$0xB0]  }
0x49: {  	v8 =	vld [tilespmem:s26+$0xFFFFFF90];
	[tilespmem:s24+$0x0] =	vst v3;
	v1 =	vmul.f32 $8.000000000e+00, v7  }
.Ltmp2:
0x4a: {  	[tilespmem:s24+$0xFFFFFF00] =	vst v4;
	v3 =	vld [tilespmem:s26+$0x10];
	v0 =	vmul.f32 $8.000000000e+00, v0;
	(pc) =	sbr.rel @p1 .LBB2_3-.Ltmp2, $4  }
0x4b: {  	v4 =	vld [tilespmem:s26+$0xFFFFFF10];
	[tilespmem:s22+$0xFFFFFF20] =	vst v1;
	v2 =	vmul.f32 $8.000000000e+00, v2  }
0x4c: {  	v7 =	vmul.f32 $8.000000000e+00, v6;
	v1 =	vld [tilespmem:s23+$0xFFFFFF30];
	[tilespmem:s22+$0xFFFFFFA0] =	vst v0  }
0x4d: {  	v0 =	vld [tilespmem:s23+$0xFFFFFFB0];
	[tilespmem:s22+$0x20] =	vst v2;
	v5 =	vmul.f32 $8.000000000e+00, v5  }
0x4e: {  	v6 =	vmul.f32 $8.000000000e+00, v8;
	[tilespmem:s24+$0x90] =	vst v7;
	v2 =	vld [tilespmem:s23+$0x30];
	s23 =	smov.u32 s26;
	s26 =	sadd.s32 $0x200, s26  }
0x4f: {  	v3 =	vmul.f32 $8.000000000e+00, v3  }
0x50: {  	v7 =	vld [tilespmem:s23+$0xA0];
	v4 =	vmul.f32 $8.000000000e+00, v4;
	[tilespmem:s24+$0xFFFFFF90] =	vst v6  }
0x51: {  	[tilespmem:s24+$0x10] =	vst v3;
	v53 =	vld [tilespmem:s23+$0xFFFFFFA0]  }
0x52: {  	[tilespmem:s24+$0xFFFFFF10] =	vst v4;
	v54 =	vld [tilespmem:s23+$0x20]  }
0x53: {  	v4 =	vld [tilespmem:s23+$0xFFFFFF20];
	_ =	sdelay $0x1  }
0x54: {  	v7 =	vmul.f32 $8.000000000e+00, v7  }
0x55: {  	v3 =	vmul.f32 $8.000000000e+00, v53  }
0x56: {  	[tilespmem:s24+$0xA0] =	vst v7;
	v6 =	vmul.f32 $8.000000000e+00, v54  }
0x57: {  	v55 =	vld [tilespmem:s23+$0xB0];
	v4 =	vmul.f32 $8.000000000e+00, v4;
	[tilespmem:s24+$0xFFFFFFA0] =	vst v3  }
0x58: {  	[tilespmem:s24+$0x20] =	vst v6;
	v57 =	vld [tilespmem:s23+$0xFFFFFFB0]  }
0x59: {  	v1 =	vmul.f32 $8.000000000e+00, v1;
	[tilespmem:s24+$0xFFFFFF20] =	vst v4;
	v58 =	vld [tilespmem:s23+$0x30]  }
0x5a: {  	[tilespmem:s22+$0xB0] =	vst v5;
	v0 =	vmul.f32 $8.000000000e+00, v0;
	v56 =	vld [tilespmem:s23+$0xFFFFFF30]  }
0x5b: {  	[tilespmem:s22+$0xFFFFFF30] =	vst v1;
	v59 =	vmul.f32 $8.000000000e+00, v2  }
0x5c: {  	[tilespmem:s22+$0xFFFFFFB0] =	vst v0;
	v60 =	vmul.f32 $8.000000000e+00, v55  }
0x5d: {  	p1 =	sne.s32 s20, $0x63;
	[tilespmem:s22+$0x30] =	vst v59;
	v62 =	vmul.f32 $8.000000000e+00, v57  }
.Ltmp3:
0x5e: {  	s31 =	sshll.u32 s20, $0xF;
	[tilespmem:s24+$0xB0] =	vst v60;
	v63 =	vmul.f32 $8.000000000e+00, v58;
	(pc) =	sbr.rel @p1 .LBB2_6-.Ltmp3, $4  }
0x5f: {  	s22 =	sadd.s32 s6, s31;
	v61 =	vmul.f32 $8.000000000e+00, v56;
	[tilespmem:s24+$0xFFFFFFB0] =	vst v62  }
0x60: {  	s22 =	sshrl.u32 s22, $0x3;
	[tilespmem:s24+$0x30] =	vst v63  }
0x61: {  	s22 =	sadd.s32 s4, s22;
	[tilespmem:s24+$0xFFFFFF30] =	vst v61  }
0x62: {  	[hbm4b:s22+s2] =	stream.linear.scatter [tilespmem:s14], [sflag:$0x3], $0x4000, $0x38;
	[tilespmem:$0x16400] =	vst v63  }
.Ltmp4:
0x63: {  	(pc) =	sbr.rel .LBB2_7-.Ltmp4, $4  }
0x64: {  	_ = 	snop  }
0x65: {  	_ =	swait.ge [sflag:s15], $0x4000  }
0x66: {  	[sflag:s15] =	ssyncset.done $0x0  }
0x67: {  	[sflag:s15] =	ssyncadd.s32 $0xFFFFC000  }
.LBB2_6:
0x68: {  	s22 =	sshrl.u32 s21, $0x2  }
.Ltmp5:
0x69: {  	s22 =	sadd.s32 $0x100, s22;
	(pc) =	sbr.rel @p0 .LBB2_8-.Ltmp5, $4  }
0x6a: {  	[tilespmem:s11], [sflag:$0x1] =	stream.indirect.gather [hbm4b:s3+s10], $0x80, s22, s10, $0xb8;
	[tilespmem:$0x16400] =	vst v63  }
0x6b: {  	_ =	swait.ge [sflag:s15], $0x4000  }
0x6c: {  	[sflag:s15] =	ssyncset.done $0x0  }
0x6d: {  	[sflag:s15] =	ssyncadd.s32 $0xFFFFC000  }
.LBB2_7:
0x6e: {  	_ =	swait.ge [sflag:s16], $0x4000  }
0x6f: {  	[sflag:s16] =	ssyncset.done $0x0  }
0x70: {  	[sflag:s16] =	ssyncadd.s32 $0xFFFFC000  }
.LBB2_8:
0x71: {  	s22 =	simm.s32 $0x0  }
0x72: {  	v0 =	vld [tilespmem:s22+$0xA5B0]  }
0x73: {  	v1 =	vld [tilespmem:s22+$0xA400]  }
0x74: {  	v2 =	vld [tilespmem:s22+$0xA410]  }
0x75: {  	v3 =	vld [tilespmem:s22+$0xA420]  }
0x76: {  	v7 =	vld [tilespmem:s22+$0xA4A0]  }
0x77: {  	v4 =	vld [tilespmem:s22+$0xA430]  }
0x78: {  	v0 =	vmul.f32 $8.000000000e+00, v0  }
0x79: {  	v5 =	vld [tilespmem:s22+$0xA480];
	v1 =	vmul.f32 $8.000000000e+00, v1  }
0x7a: {  	v6 =	vld [tilespmem:s22+$0xA490];
	v2 =	vmul.f32 $8.000000000e+00, v2;
	[tilespmem:s22+$0x125B0] =	vst v0  }
0x7b: {  	v8 =	vld [tilespmem:s22+$0xA4B0];
	v7 =	vmul.f32 $8.000000000e+00, v7;
	[tilespmem:s22+$0x12400] =	vst v1  }
0x7c: {  	v0 =	vmul.f32 $8.000000000e+00, v3;
	[tilespmem:s22+$0x12410] =	vst v2;
	v1 =	vmul.f32 $8.000000000e+00, v4;
	v4 =	vld [tilespmem:s22+$0xA500]  }
0x7d: {  	v3 =	vld [tilespmem:s22+$0xA510];
	[tilespmem:s22+$0x124A0] =	vst v7  }
0x7e: {  	v2 =	vmul.f32 $8.000000000e+00, v5;
	[tilespmem:s22+$0x12420] =	vst v0;
	v0 =	vld [tilespmem:s22+$0xA520]  }
0x7f: {  	v5 =	vmul.f32 $8.000000000e+00, v6;
	[tilespmem:s22+$0x12430] =	vst v1;
	v1 =	vld [tilespmem:s22+$0xA530]  }
0x80: {  	v6 =	vmul.f32 $8.000000000e+00, v8;
	[tilespmem:s22+$0x12480] =	vst v2;
	v2 =	vld [tilespmem:s22+$0xA580]  }
0x81: {  	s23 =	simm.s32 $0x0;
	s24 =	simm.s32 $0x800;
	[tilespmem:s22+$0x12490] =	vst v5;
	v5 =	vmul.f32 $8.000000000e+00, v4;
	v4 =	vld [tilespmem:s22+$0xA590]  }
.LBB2_9:
0x82: {  	s25 =	sshra.s32 s24, $0x2;
	s23 =	sadd.s32 $0x4, s23;
	[tilespmem:s22+$0x124B0] =	vst v6;
	v3 =	vmul.f32 $8.000000000e+00, v3;
	v6 =	vld [tilespmem:s22+$0xA5A0]  }
0x83: {  	v7 =	vld [tilespmem:s25+$0xA5B0];
	p0 =	slt.u32 s23, $0x7C;
	[tilespmem:s22+$0x12500] =	vst v5;
	v0 =	vmul.f32 $8.000000000e+00, v0  }
0x84: {  	v5 =	vld [tilespmem:s25+$0xA400];
	[tilespmem:s22+$0x12510] =	vst v3;
	v1 =	vmul.f32 $8.000000000e+00, v1  }
0x85: {  	v3 =	vld [tilespmem:s25+$0xA410];
	[tilespmem:s22+$0x12520] =	vst v0;
	v0 =	vmul.f32 $8.000000000e+00, v2  }
0x86: {  	v2 =	vld [tilespmem:s25+$0xA420];
	[tilespmem:s22+$0x12530] =	vst v1;
	v1 =	vmul.f32 $8.000000000e+00, v4  }
0x87: {  	v4 =	vld [tilespmem:s25+$0xA430];
	[tilespmem:s22+$0x12580] =	vst v0;
	v0 =	vmul.f32 $8.000000000e+00, v6  }
0x88: {  	v6 =	vld [tilespmem:s25+$0xA480];
	v7 =	vmul.f32 $8.000000000e+00, v7;
	[tilespmem:s22+$0x12590] =	vst v1  }
0x89: {  	v1 =	vmul.f32 $8.000000000e+00, v5;
	v5 =	vld [tilespmem:s25+$0xA490];
	[tilespmem:s22+$0x125A0] =	vst v0;
	s22 =	smov.u32 s25  }
0x8a: {  	v0 =	vmul.f32 $8.000000000e+00, v3;
	v8 =	vld [tilespmem:s22+$0xA4A0];
	[tilespmem:s22+$0x125B0] =	vst v7  }
0x8b: {  	[tilespmem:s22+$0x12400] =	vst v1;
	v1 =	vmul.f32 $8.000000000e+00, v2;
	v2 =	vld [tilespmem:s22+$0xA4B0]  }
0x8c: {  	[tilespmem:s22+$0x12410] =	vst v0;
	v0 =	vmul.f32 $8.000000000e+00, v4;
	v4 =	vld [tilespmem:s22+$0xA500]  }
.Ltmp6:
0x8d: {  	[tilespmem:s22+$0x12420] =	vst v1;
	v1 =	vmul.f32 $8.000000000e+00, v6;
	v3 =	vld [tilespmem:s22+$0xA510];
	(pc) =	sbr.rel @p0 .LBB2_9-.Ltmp6, $4  }
0x8e: {  	[tilespmem:s22+$0x12430] =	vst v0;
	v5 =	vmul.f32 $8.000000000e+00, v5;
	v0 =	vld [tilespmem:s22+$0xA520]  }
0x8f: {  	[tilespmem:s22+$0x12480] =	vst v1;
	v7 =	vmul.f32 $8.000000000e+00, v8;
	v1 =	vld [tilespmem:s22+$0xA530]  }
0x90: {  	[tilespmem:s22+$0x12490] =	vst v5;
	v6 =	vmul.f32 $8.000000000e+00, v2;
	v2 =	vld [tilespmem:s22+$0xA580]  }
0x91: {  	s24 =	sadd.s32 $0x800, s24;
	[tilespmem:s22+$0x124A0] =	vst v7;
	v5 =	vmul.f32 $8.000000000e+00, v4;
	v4 =	vld [tilespmem:s22+$0xA590]  }
0x92: {  	[tilespmem:s22+$0x124B0] =	vst v6;
	v3 =	vmul.f32 $8.000000000e+00, v3;
	v60 =	vld [tilespmem:s22+$0xA5A0]  }
0x93: {  	[tilespmem:s22+$0x12500] =	vst v5;
	v0 =	vmul.f32 $8.000000000e+00, v0  }
0x94: {  	[tilespmem:s22+$0x12510] =	vst v3;
	v1 =	vmul.f32 $8.000000000e+00, v1  }
0x95: {  	p0 =	seq.s32 s20, $0x63;
	[tilespmem:s22+$0x12520] =	vst v0;
	v61 =	vmul.f32 $8.000000000e+00, v2  }
.Ltmp7:
0x96: {  	[tilespmem:s22+$0x12530] =	vst v1;
	v62 =	vmul.f32 $8.000000000e+00, v4;
	(pc) =	sbr.rel @p0 .LBB2_12-.Ltmp7, $4  }
0x97: {  	[tilespmem:s22+$0x12580] =	vst v61;
	v63 =	vmul.f32 $8.000000000e+00, v60  }
0x98: {  	s23 =	sshll.u32 s20, $0xC;
	[tilespmem:s22+$0x12590] =	vst v62  }
0x99: {  	s31 =	sadd.s32 s8, s23;
	[tilespmem:s22+$0x125A0] =	vst v63  }
0x9a: {  	[hbm4b:s31+s2] =	stream.linear.scatter [tilespmem:s17], [sflag:$0x4], $0x4000, $0x38;
	[tilespmem:$0x16400] =	vst v63  }
.Ltmp8:
0x9b: {  	(pc) =	sbr.rel .LBB2_2-.Ltmp8, $4  }
0x9c: {  	_ = 	snop  }
0x9d: {  	s21 =	sshrl.u32 s21, $0x2  }
0x9e: {  	s20 =	sadd.s32 $0x1, s20;
	s21 =	sadd.s32 $0x180, s21  }
0x9f: {  	[tilespmem:s12], [sflag:$0x2] =	stream.indirect.gather [hbm4b:s3+s10], $0x80, s21, s10, $0xb8;
	[tilespmem:$0x16400] =	vst v63  }
.LBB2_13:
0xa0: {  	_ =	sfence.sel $0x180000  }
0xa1: {  	[bflag:$0x0] =	sbarrier.arrive $0xFFFF  }
0xa2: {  	p0 =	sne.s32 s1, $0x0;
	_ =	strace $0x90000047  }
0xa3: {  	s0 =	sadd.s32 @!p0 $0x100000, s0;
	[bflag:$0x2] =	sbarrier.arrive $0xFFFF  }
0xa4: {  	[sflag:s0] =	ssyncadd.tile.s32 @!p0 $0x1;
	_ =	shalt  }
.Lfunc_end2:
_tile_overlayer_lowered:
.L_overlay_start_2:
0xa5: {  	(tag) =	ssettag $0x2  }
0xa6: {  	s0 =	rddreg [dreg:$0x0];
	s2 =	stileid.u32  }
0xa7: {  	s1 =	rddreg [dreg:$0x1];
	p0 =	sne.s32 s2, $0x0  }
0xa8: {  	s3 =	rddreg [dreg:$0x2];
	[bflag:$0x3] =	sbarrier.arrive $0xFFFF;
	s2 =	simm.s32 @!p0 $0x1C05  }
0xa9: {  	[timem:s3], [sflag:s2] =	dma.local @!p0 [hbm:s0], s1  }
0xaa: {  	s0 =	simm.s32 @!p0 $0x5  }
0xab: {  	_ =	swait.ge @!p0 [sflag:s0], s1  }
0xac: {  	s1 =	ssub.s32 @!p0 $0x0, s1;
	[sflag:s0] =	ssyncset.done @!p0 $0x0  }
0xad: {  	[sflag:s0] =	ssyncadd.s32 @!p0 s1  }
0xae: {  	[bflag:$0x3] =	sbarrier.arrive $0xFFFF  }
0xaf: {  	_ =	shalt  }

// kernel: sparse-core-data-format-call.cloned.1.call-start
scs
called_computation_lowered:
.L_overlay_start_0:
0x0: {  	s2 =	sld [smem:$0x3FD9]  }
0x1: {  	s3 =	sld [smem:$0x3FFE];
	_ =	sdelay $0x1  }
0x2: {  	s1 =	srdreg.scid  }
0x3: {  	s0 =	sand.u32 $0x1, s1  }
0x4: {  	s18 =	sshll.u32 s0, $0xA;
	s2 =	sadd.s32 s3, s2  }
0x5: {  	s2 =	sadd.s32 s2, s18  }
0x6: {  	[smem:$0x3FC6] =	sst s2  }
0x7: {  	_ = 	snop  }
0x8: {  	s2 =	sld [smem:$0x3FD0];
	(tm) =	ssettm $0x1  }
0x9: {  	s19 =	sld [smem:$0x3FFB];
	_ =	sdelay $0x3  }
0xa: {  	_ =	strace s19  }
0xb: {  	s3 =	sld [smem:$0x3FFC];
	_ =	sdelay $0x3  }
0xc: {  	_ =	strace s3  }
0xd: {  	s3 =	sld [smem:$0x3FFD];
	_ =	sdelay $0x3  }
0xe: {  	_ =	strace s3  }
0xf: {  	_ =	strace $0x8FFFFFFF  }
0x10: {  	s20 =	sld [smem:$0x3FDB];
	_ =	sdelay $0x1  }
0x11: {  	s4 =	simm.s32 $_scs_section_size  }
0x12: {  	s5 =	simm.s32 $_size__tile_overlayer_lowered;
	s6 =	simm.s32 $_tile_overlayer_lowered  }
0x13: {  	s23 =	simm.s32 $0x1BFF;
	s22 =	sshll.u32 s6, $0x1;
	s3 =	sadd.s32 s4, s20  }
0x14: {  	s7 =	simm.s32 $0x0;
	s21 =	sshll.u32 s5, $0x1;
	s5 =	sadd.s32 s22, s3  }
0x15: {  	[timem:s7], [sflag:s23] =	dma.local [hbm:s5], s21  }
0x16: {  	_ =	swait.ge [sflag:s23], s21  }
0x17: {  	s4 =	ssub.s32 $0x0, s21;
	[sflag:s23] =	ssyncset.done $0x0  }
0x18: {  	[sflag:s23] =	ssyncadd.s32 s4;
	_ =	sdelay $0x1  }
0x19: {  	s24 =	simm.s32 $0x1B8B  }
0x1a: {  	_ =	swait.ge [sflag:s24], $0x1  }
0x1b: {  	[sflag:s24] =	ssyncset.done $0x0  }
0x1c: {  	s26 =	simm.s32 $0x1B8E;
	s25 =	sld [smem:$0x3FFE];
	[sflag:s24] =	ssyncadd.s32 $0xFFFFFFFF  }
0x1d: {  	s27 =	simm.s32 $execute0_lowered;
	[smem:$0x3FD2] =	sst s26  }
0x1e: {  	s5 =	sshll.u32 s27, $0x1;
	_ =	strace $0x80000049;
	[dreg:$0x1] =	wrdreg $0xFFFFFFFF  }
0x1f: {  	s28 =	simm.s32 $_size_execute0_lowered;
	s3 =	sadd.s32 s3, s5;
	[dreg:$0x0] =	wrdreg $0x0  }
0x20: {  	s5 =	sshll.u32 s28, $0x1;
	[dreg:$0x2] =	wrdreg s3  }
0x21: {  	[dreg:$0x3] =	wrdreg s5  }
0x22: {  	[dreg:$0x4] =	wrdreg $0xC0  }
0x23: {  	_ =	task [dreg:s7], $0x5FFFF  }
0x24: {  	[dreg:$0x1] =	wrdreg $0xFFFFFFFF  }
0x25: {  	[dreg:$0x0] =	wrdreg $0x60  }
0x26: {  	[dreg:$0x2] =	wrdreg s25  }
0x27: {  	[dreg:$0x3] =	wrdreg s2  }
0x28: {  	[dreg:$0x4] =	wrdreg $0x9  }
0x29: {  	_ =	task.clear_ibuf [dreg:s7], $0x5FFFF;
	_ =	strace $0x90000049  }
0x2a: {  	s29 =	simm.s32 $0x9;
	_ =	strace $0x8000004B  }
0x2b: {  	_ =	swait.ge [sflag:s29], $0x1  }
0x2c: {  	[sflag:s29] =	ssyncadd.s32 $0xFFFFFFFF  }
0x2d: {  	_ =	strace $0x9000004B  }
0x2e: {  	_ =	sfence  }
0x2f: {  	s30 =	sld [smem:$0x0];
	_ =	sdelay $0x2  }
0x30: {  	s31 =	sshll.u32 s1, $0xD;
	s1 =	sshrl.u32 s1, $0x2  }
0x31: {  	s3 =	sand.u32 $0x4000, s31;
	s1 =	sadd.s32 s1, s30  }
0x32: {  	s0 =	sor.u32 s3, s0;
	s1 =	sshll.u32 s1, $0x11  }
0x33: {  	s0 =	sor.u32 s1, s0  }
0x34: {  	s0 =	sadd.s32 $0x8F2B, s0  }
0x35: {  	[sflag:s0] =	ssyncadd.remote.s32 $0x1  }
0x36: {  	_ =	sfence.sel $0xFFFF  }
0x37: {  	[dreg:$0x0] =	wrdreg $0xFFFFFFFF;
	(pc) =	sbr.abs _section_cstart, $3  }
0x38: {  	[dreg:$0x1] =	wrdreg $0xFFFFFFFF  }
0x39: {  	_ =	task.clear_ibuf [dreg:s7], $0x2FFFF;
	_ =	strace $0x9FFFFFFF  }
0x3a: {  	(tm) =	ssettm $0x7FFFFFFF  }
0x3b: {  	_ =	shalt  }
tec
execute0_lowered:
.L_overlay_start_1:
0x0: {  	(tag) =	ssettag $0x1  }
0x1: {  	s0 =	srdreg.scid  }
0x2: {  	s1 =	sshll.u32 s0, $0x4  }
0x3: {  	s0 =	stileid.u32;
	s1 =	sand.u32 $0x10, s1  }
0x4: {  	s1 =	sor.u32 s0, s1  }
0x5: {  	s6 =	rddreg [dreg:$0x0];
	s4 =	simm.s32 $0x1;
	s2 =	sshll.u32 s1, $0x7  }
0x6: {  	s7 =	simm.s32 $0x2;
	s12 =	simm.s32 $0x0;
	s1 =	ssub.s32 $0x1000, s2  }
0x7: {  	s8 =	simm.s32 $0x8000;
	s13 =	simm.s32 $0x0;
	s3 =	sand.u32 $0xF80, s1  }
0x8: {  	s9 =	simm.s32 $0x0;
	s5 =	sshrl.u32 s1, $0xC;
	p0 =	sne.s32 s3, $0x0  }
.Ltmp0:
0x9: {  	s1 =	rddreg [dreg:$0x2];
	s4 =	simm.s32 @!p0 $0x0;
	(pc) =	sbr.rel .LBB1_1-.Ltmp0, $4  }
0xa: {  	s11 =	simm.s32 $0x0;
	s3 =	rddreg [dreg:$0x1];
	s5 =	sadd.s32 s4, s5  }
0xb: {  	_ =	strace $0x8000004A;
	s4 =	simm.s32 $0x1;
	s5 =	smul.u32 $0xC8, s5  }
0xc: {  	s6 =	sadd.s32 $0xA00, s6;
	s10 =	smov.u32 s2;
	[sflag:s4] =	ssyncpa.u1 $0x0  }
0xd: {  	p0 =	por $0x0, $0x0;
	[sflag:s7] =	ssyncpa.u1 $0x0;
	s7 =	sor.u32 $0x1, s5  }
.LBB1_4:
0xe: {  	s16 =	sshll.u32 s13, $0x3;
	s17 =	sand.u32 $0x78, s13  }
0xf: {  	s30 =	sand.u32 $0x7E00, s13;
	s12 =	sshll.u32 s12, $0xF;
	s16 =	sand.u32 $0xC00, s16  }
0x10: {  	[tilespmem:s15+$0x810 ss:$0x81] =	vst.msk $0xffff, v2;
	s31 =	sand.u32 $0x7, s13;
	s16 =	sor.u32 s17, s16;
	s17 =	sadd.s32 s3, s30  }
0x11: {  	[tilespmem:s15+$0x1020 ss:$0x81] =	vst.msk $0xffff, v0;
	s13 =	sshll.u32 s31, $0x12;
	s12 =	sadd.s32 s12, s17;
	s16 =	sshrl.u32 s16, $0x3  }
0x12: {  	[tilespmem:s15+$0x0 ss:$0x81] =	vst.msk $0xffff, v1;
	s13 =	sor.u32 $0x400, s13;
	s12 =	sadd.s32 s16, s12  }
0x13: {  	[hbm4b:s12+s13] =	stream.strided.scatter [tilespmem:s14], [sflag:$0x2], $0x2000, s8, s13, $0x20;
	[tilespmem:$0x8080] =	vst v63  }
.LBB1_5:
0x14: {  	s14 =	sadd.s32 $0x1, s9  }
0x15: {  	s12 =	sadd.s32 $0x1000, s10;
	s16 =	smov.u32 s10;
	p2 =	sgt.s32 s14, $0xC7  }
0x16: {  	s16 =	smov.u32 @p2 s12  }
0x17: {  	s14 =	simm.s32 @p2 $0x0;
	p2 =	sgt.s32 s16, $0xFFF  }
0x18: {  	s16 =	smov.u32 @p2 s2;
	p2 =	sne.s32 s11, s7  }
.Ltmp1:
0x19: {  	p1 =	slt.u32 s11, $0x2;
	(pc) =	sbr.rel @!p2 .LBB1_6-.Ltmp1, $4  }
0x1a: {  	s15 =	simm.s32 @!p1 $0x2  }
0x1b: {  	s13 =	smov.u32 s10;
	p0 =	por !p0, !p0;
	_ =	swait.ge @!p1 [sflag:s15], $0x2000  }
0x1c: {  	s12 =	smov.u32 s9;
	[sflag:s15] =	ssyncset.done @!p1 $0x0;
	s9 =	smov.u32 s14  }
0x1d: {  	s11 =	sadd.s32 $0x1, s11;
	[sflag:s15] =	ssyncadd.s32 @!p1 $0xFFFFE000;
	s10 =	smov.u32 s16  }
.LBB1_1:
0x1e: {  	p1 =	sge.u32 s11, s5  }
0x1f: {  	s14 =	sand.u32 @!p1 $0x1FFFFFF, s9  }
0x20: {  	s15 =	smulhi.u32 @!p1 $0x147AE15, s14;
	_ =	sdelay $0x1  }
0x21: {  	s15 =	smul.u32 @!p1 $0xC8, s15  }
0x22: {  	s16 =	sxor.u32 @!p1 $0xFFFFFFFF, s11;
	s17 =	smul.u32 @!p1 $0xC80, s10  }
0x23: {  	s31 =	sadd.s32 $0xFFFFFFFF, s11;
	s16 =	sshll.u32 @!p1 s16, $0xD;
	s14 =	ssub.s32 @!p1 s14, s15  }
0x24: {  	s15 =	sand.u32 @!p1 $0x2000, s16;
	s16 =	sadd.s32 @!p1 s6, s17;
	s14 =	sshll.u32 @!p1 s14, $0x4  }
0x25: {  	s17 =	simm.s32 @!p1 $0x6400;
	s14 =	sadd.s32 @!p1 s14, s16;
	s16 =	simm.s32 @!p1 $0x40  }
0x26: {  	[tilespmem:s15], [sflag:$0x1] =	stream.strided.gather @!p1 [hbm4b:s14+s16], $0x2000, s17, s16, $0x38;
	[tilespmem:$0x8080] =	vst v63  }
0x27: {  	p1 =	sge.u32 s31, s5  }
.Ltmp2:
0x28: {  	_ = 	snop;
	(pc) =	sbr.rel @p1 .LBB1_5-.Ltmp2, $1  }
0x29: {  	_ =	sdelay $0x3  }
0x2a: {  	s14 =	simm.s32 $0x1  }
0x2b: {  	_ =	swait.ge [sflag:s4], $0x2000;
	s14 =	simm.s32 @!p0 $0x0  }
0x2c: {  	[sflag:s4] =	ssyncset.done $0x0;
	s15 =	sshll.u32 s14, $0xD  }
0x2d: {  	[sflag:s4] =	ssyncadd.s32 $0xFFFFE000;
	s18 =	sor.u32 $0x20, s15  }
0x2e: {  	s14 =	smul.u32 $0x8100, s14;
	v3 =	vld [tilespmem:s18+$0x10]  }
0x2f: {  	s30 =	sand.u32 $0x1, s11;
	v2 =	vld [tilespmem:s18+$0xFFFFFFF0]  }
0x30: {  	s15 =	smul.u32 $0x8100, s30;
	s14 =	sshrl.u32 s14, $0x2;
	v0 =	vld [tilespmem:s18+$0x0]  }
0x31: {  	v1 =	vld [tilespmem:s18+$0xFFFFFFE0];
	s16 =	sor.u32 $0x4000, s14  }
0x32: {  	s31 =	sshrl.u32 s15, $0x2;
	s15 =	sadd.s32 $0x0, s16  }
0x33: {  	s17 =	simm.s32 $0x4;
	s18 =	sadd.s32 $0x40, s18;
	s14 =	sor.u32 $0x4000, s31;
	[tilespmem:s15+$0x1830 ss:$0x81] =	vst.msk $0xffff, v3  }
.LBB1_3:
0x34: {  	v3 =	vld [tilespmem:s18+$0x10];
	p1 =	sne.s32 s17, $0x1FC;
	[tilespmem:s15+$0x810 ss:$0x81] =	vst.msk $0xffff, v2;
	s19 =	smov.u32 s17;
	s17 =	sadd.s32 $0x4, s17  }
.Ltmp3:
0x35: {  	v2 =	vld [tilespmem:s18+$0xFFFFFFF0];
	[tilespmem:s15+$0x1020 ss:$0x81] =	vst.msk $0xffff, v0;
	(pc) =	sbr.rel @p1 .LBB1_3-.Ltmp3, $4  }
0x36: {  	v0 =	vld [tilespmem:s18+$0x0];
	[tilespmem:s15+$0x0 ss:$0x81] =	vst.msk $0xffff, v1  }
0x37: {  	s15 =	sshra.s32 s19, $0x2;
	v1 =	vld [tilespmem:s18+$0xFFFFFFE0]  }
0x38: {  	s15 =	sadd.s32 s15, s16  }
0x39: {  	s18 =	sadd.s32 $0x40, s18;
	[tilespmem:s15+$0x1830 ss:$0x81] =	vst.msk $0xffff, v3  }
.Ltmp4:
0x3a: {  	_ = 	snop;
	(pc) =	sbr.rel .LBB1_4-.Ltmp4, $1  }
0x3b: {  	_ =	sdelay $0x3  }
.LBB1_6:
0x3c: {  	_ =	sfence.sel $0x180000  }
0x3d: {  	s2 =	simm.s32 $0x1;
	[bflag:$0x0] =	sbarrier.arrive $0xFFFF  }
0x3e: {  	s31 =	simm.s32 $0x2;
	[sflag:s2] =	ssyncpa.u1 $0x1  }
0x3f: {  	[sflag:s31] =	ssyncpa.u1 $0x1  }
0x40: {  	p0 =	sne.s32 s0, $0x0;
	_ =	strace $0x9000004A  }
0x41: {  	s0 =	sadd.s32 @!p0 $0x100000, s1;
	[bflag:$0x2] =	sbarrier.arrive $0xFFFF  }
0x42: {  	[sflag:s0] =	ssyncadd.tile.s32 @!p0 $0x1;
	_ =	shalt  }
.Lfunc_end1:
_tile_overlayer_lowered:
.L_overlay_start_2:
0x43: {  	(tag) =	ssettag $0x2  }
0x44: {  	s0 =	rddreg [dreg:$0x0];
	s2 =	stileid.u32  }
0x45: {  	s1 =	rddreg [dreg:$0x1];
	p0 =	sne.s32 s2, $0x0  }
0x46: {  	s3 =	rddreg [dreg:$0x2];
	[bflag:$0x3] =	sbarrier.arrive $0xFFFF;
	s2 =	simm.s32 @!p0 $0x1C01  }
0x47: {  	[timem:s3], [sflag:s2] =	dma.local @!p0 [hbm:s0], s1  }
0x48: {  	s0 =	simm.s32 @!p0 $0x1  }
0x49: {  	_ =	swait.ge @!p0 [sflag:s0], s1  }
0x4a: {  	s1 =	ssub.s32 @!p0 $0x0, s1;
	[sflag:s0] =	ssyncset.done @!p0 $0x0  }
0x4b: {  	[sflag:s0] =	ssyncadd.s32 @!p0 s1  }
0x4c: {  	[bflag:$0x3] =	sbarrier.arrive $0xFFFF  }
0x4d: {  	_ =	shalt  }

</sc_bundles>
